<compile_context>
chip_gen: v7x
topology: tpu7x:2x2x1
jax: 0.10.2.dev20260603
libtpu: 0.0.44.dev20260713+nightly
codegen_flags: <defaults>
</compile_context>

<pallas_src>
import functools

import jax
import jax.numpy as jnp
from jax import lax
from jax.experimental import pallas as pl
from jax.experimental.pallas import tpu as pltpu
from jax.experimental.pallas import tpu_sc as plsc

_N_DIAG = 4096
_F_PTS = 200
_GRID_N = 128
_NW = 32
_NCHUNK = _N_DIAG // _NW
_LANES = 16

_mesh = plsc.VectorSubcoreMesh(core_axis_name="c", subcore_axis_name="s")


@functools.partial(
    pl.kernel,
    mesh=_mesh,
    out_type=jax.ShapeDtypeStruct((_F_PTS, _N_DIAG), jnp.float32),
    compiler_params=pltpu.CompilerParams(needs_layout_passes=False),
    scratch_types=[
        pltpu.VMEM((_F_PTS, 2, _NCHUNK), jnp.float32),
        pltpu.VMEM((_GRID_N, _GRID_N), jnp.float32),
        pltpu.VMEM((_F_PTS, _NCHUNK), jnp.float32),
        pltpu.VMEM((64,), jnp.float32),
    ],
)
def _sc_lookup(coords_hbm, grid_hbm, params_hbm, out_hbm,
               coords_v, grid_v, out_v, params_v):
    wid = lax.axis_index("s") * 2 + lax.axis_index("c")
    n0 = wid * _NCHUNK
    pltpu.sync_copy(coords_hbm.at[:, :, pl.ds(n0, _NCHUNK)], coords_v)
    pltpu.sync_copy(grid_hbm, grid_v)
    pltpu.sync_copy(params_hbm, params_v)

    m0 = params_v[pl.ds(0, 16)]
    big0 = params_v[pl.ds(16, 16)]
    m1 = params_v[pl.ds(32, 16)]
    big1 = params_v[pl.ds(48, 16)]
    gn = jnp.full((_LANES,), float(_GRID_N), jnp.float32)
    sx = gn / (big0 - m0)
    sy = gn / (big1 - m1)

    @plsc.parallel_loop(0, _F_PTS, unroll=2)
    def _loop(f):
        idx = []
        for g in range(_NCHUNK // _LANES):
            xs = coords_v[f, 0, pl.ds(g * _LANES, _LANES)]
            ys = coords_v[f, 1, pl.ds(g * _LANES, _LANES)]
            fx = (xs - m0) * sx
            fy = (ys - m1) * sy
            idx.append((fx.astype(jnp.int32), fy.astype(jnp.int32)))
        ws = [plsc.load_gather(grid_v, [ix, iy]) for ix, iy in idx]
        for g, w in enumerate(ws):
            out_v[f, pl.ds(g * _LANES, _LANES)] = w

    pltpu.sync_copy(out_v, out_hbm.at[:, pl.ds(n0, _NCHUNK)])


def kernel(diagrams, masks, grid, grid_bounds):
    del masks
    coords = jnp.transpose(diagrams, (1, 2, 0))
    params = jnp.broadcast_to(grid_bounds.reshape(4, 1), (4, 16)).reshape(64)
    out = _sc_lookup(coords, grid, params)
    return jnp.transpose(out, (1, 0)).reshape(_N_DIAG, _F_PTS, 1)

# --- scband reference (transcript-rebuilt; emitter-appended) ---
"""Pipeline reference for scband-grid-perslay-weight-44186623541916 (READ-ONLY COPY).

The authoritative reference and input builder live on the scoring server;
editing this copy changes nothing except your own understanding.
"""

import jax, jax.numpy as jnp
import numpy as np

N_DIAG = 4096
F_PTS = 200
GRID_N = 128


def setup_inputs(seed: int = 0) -> dict:
    key = jax.random.key(seed)
    k1, k2 = jax.random.split(key, 2)
    # forward args: coords uniformly in [0, 1) so computed grid indices are in-range
    diagrams = jax.random.uniform(k1, (N_DIAG, F_PTS, 2), dtype=jnp.float32)
    masks = jnp.ones((N_DIAG, F_PTS), dtype=jnp.float32)
    # learned parameter (per init_kwargs): NxN grid of values
    grid = jax.random.normal(k2, (GRID_N, GRID_N), dtype=jnp.float32)
    # buffer (per init_kwargs): [[min_x, max_x], [min_y, max_y]]
    grid_bounds = jnp.array([[0.0, 1.0], [0.0, 1.0]], dtype=jnp.float32)
    return {"diagrams": diagrams, "masks": masks, "grid": grid, "grid_bounds": grid_bounds}


def reference(diagrams, masks, grid, grid_bounds):
    # Faithful translation of GridPerslayWeight.forward.
    # masks is accepted but unused, exactly as in the torch module.
    grid_shape = grid.shape
    indices = []
    for dim in range(2):
        bnds = grid_bounds[dim]
        m, M = bnds[0], bnds[1]
        coords = diagrams[:, :, dim:dim + 1]  # [N, F, 1]
        ids = (grid_shape[dim] * (coords - m) / (M - m)).astype(jnp.int64)
        indices.append(ids)
    # torch advanced indexing grid[[idx0, idx1]] == grid[idx0, idx1]; result [N, F, 1]
    weight = grid[indices[0], indices[1]]
    return weight

if __name__ == "__main__":
    import jax
    _d = setup_inputs()
    print(jax.jit(kernel)(*tuple(_d.values())))

</pallas_src>

<mosaic_0001>
#map = affine_map<(d0, d1) -> (0, 0, 0)>
#map1 = affine_map<(d0, d1) -> (0, 0)>
#map2 = affine_map<(d0, d1) -> (0)>
module attributes {stable_mosaic.version = 14 : i64} {
  func.func @_sc_lookup(%arg0: i32, %arg1: i32, %arg2: memref<200x2x4096xf32, #tpu.memory_space<hbm>>, %arg3: memref<128x128xf32, #tpu.memory_space<hbm>>, %arg4: memref<64xf32, #tpu.memory_space<hbm>>, %arg5: memref<200x4096xf32, #tpu.memory_space<hbm>>, %arg6: memref<200x2x128xf32, #tpu.memory_space<vmem>>, %arg7: memref<128x128xf32, #tpu.memory_space<vmem>>, %arg8: memref<200x128xf32, #tpu.memory_space<vmem>>, %arg9: memref<64xf32, #tpu.memory_space<vmem>>) attributes {dimension_semantics = [#tpu.dimension_semantics<core_parallel>, #tpu.dimension_semantics<subcore_parallel>], iteration_bounds = array<i64: 2, 16>, scalar_prefetch = 0 : i64, scratch_operands = 4 : i64, tpu.core_type = #tpu.core_type<sc_vector_subcore>, window_params = [{transform_indices = #map}, {transform_indices = #map1}, {transform_indices = #map2}, {transform_indices = #map1}]} {
    %mul3A = arith.constant 2 : i32
    %mul3A_0 = arith.muli %arg1, %mul3A : i32
    %add3A = arith.addi %mul3A_0, %arg0 : i32
    %mul3A_1 = arith.constant 128 : i32
    %mul3A_2 = arith.muli %add3A, %mul3A_1 : i32
    "tpu.region"() ({
      %run_scoped3A = tpu.sem_alloc : memref<!tpu.dma_semaphore, #tpu.memory_space<semaphore_mem>>
      %dma_start3A = arith.constant 0 : i32
      %dma_start3A_15 = arith.constant 0 : i32
      %dma_start3A_16 = tpu.memref_slice %arg2[%dma_start3A, %dma_start3A_15, %mul3A_2] : memref<200x2x4096xf32, #tpu.memory_space<hbm>> -> memref<200x2x128xf32, #tpu.memory_space<hbm>>
      %dma_start3A_17 = arith.constant 0 : i32
      %dma_start3A_18 = arith.constant 0 : i32
      %dma_start3A_19 = tpu.memref_slice %arg2[%dma_start3A_17, %dma_start3A_18, %mul3A_2] : memref<200x2x4096xf32, #tpu.memory_space<hbm>> -> memref<200x2x128xf32, #tpu.memory_space<hbm>>
      tpu.enqueue_dma source(%dma_start3A_19 : memref<200x2x128xf32, #tpu.memory_space<hbm>>) target(%arg6 : memref<200x2x128xf32, #tpu.memory_space<vmem>>) target_semaphore(%run_scoped3A : memref<!tpu.dma_semaphore, #tpu.memory_space<semaphore_mem>>)
      %dma_wait3A = arith.constant 0 : i32
      %dma_wait3A_20 = arith.constant 0 : i32
      %dma_wait3A_21 = tpu.memref_slice %arg2[%dma_wait3A, %dma_wait3A_20, %mul3A_2] : memref<200x2x4096xf32, #tpu.memory_space<hbm>> -> memref<200x2x128xf32, #tpu.memory_space<hbm>>
      %dma_wait3A_22 = arith.constant 0 : i32
      %dma_wait3A_23 = arith.constant 0 : i32
      %dma_wait3A_24 = tpu.memref_slice %arg2[%dma_wait3A_22, %dma_wait3A_23, %mul3A_2] : memref<200x2x4096xf32, #tpu.memory_space<hbm>> -> memref<200x2x128xf32, #tpu.memory_space<hbm>>
      tpu.wait_dma2 semaphore(%run_scoped3A : memref<!tpu.dma_semaphore, #tpu.memory_space<semaphore_mem>>) src(%dma_wait3A_24 : memref<200x2x128xf32, #tpu.memory_space<hbm>>) dst(%arg6 : memref<200x2x128xf32, #tpu.memory_space<vmem>>)
      tpu.yield
    }) : () -> ()
    "tpu.region"() ({
      %run_scoped3A = tpu.sem_alloc : memref<!tpu.dma_semaphore, #tpu.memory_space<semaphore_mem>>
      tpu.enqueue_dma source(%arg3 : memref<128x128xf32, #tpu.memory_space<hbm>>) target(%arg7 : memref<128x128xf32, #tpu.memory_space<vmem>>) target_semaphore(%run_scoped3A : memref<!tpu.dma_semaphore, #tpu.memory_space<semaphore_mem>>)
      tpu.wait_dma2 semaphore(%run_scoped3A : memref<!tpu.dma_semaphore, #tpu.memory_space<semaphore_mem>>) src(%arg3 : memref<128x128xf32, #tpu.memory_space<hbm>>) dst(%arg7 : memref<128x128xf32, #tpu.memory_space<vmem>>)
      tpu.yield
    }) : () -> ()
    "tpu.region"() ({
      %run_scoped3A = tpu.sem_alloc : memref<!tpu.dma_semaphore, #tpu.memory_space<semaphore_mem>>
      tpu.enqueue_dma source(%arg4 : memref<64xf32, #tpu.memory_space<hbm>>) target(%arg9 : memref<64xf32, #tpu.memory_space<vmem>>) target_semaphore(%run_scoped3A : memref<!tpu.dma_semaphore, #tpu.memory_space<semaphore_mem>>)
      tpu.wait_dma2 semaphore(%run_scoped3A : memref<!tpu.dma_semaphore, #tpu.memory_space<semaphore_mem>>) src(%arg4 : memref<64xf32, #tpu.memory_space<hbm>>) dst(%arg9 : memref<64xf32, #tpu.memory_space<vmem>>)
      tpu.yield
    }) : () -> ()
    %get3A = arith.constant 0 : index
    %get3A_3 = tpu.vector_load %arg9[%get3A] {strides = array<i32>} : memref<64xf32, #tpu.memory_space<vmem>>, vector<16xf32>,
    %get3A_4 = arith.constant 16 : index
    %get3A_5 = tpu.vector_load %arg9[%get3A_4] {strides = array<i32>} : memref<64xf32, #tpu.memory_space<vmem>>, vector<16xf32>,
    %get3A_6 = arith.constant 32 : index
    %get3A_7 = tpu.vector_load %arg9[%get3A_6] {strides = array<i32>} : memref<64xf32, #tpu.memory_space<vmem>>, vector<16xf32>,
    %get3A_8 = arith.constant 48 : index
    %get3A_9 = tpu.vector_load %arg9[%get3A_8] {strides = array<i32>} : memref<64xf32, #tpu.memory_space<vmem>>, vector<16xf32>,
    %broadcast_in_dim3A = arith.constant 1.280000e+02 : f32
    %broadcast_in_dim3A_10 = vector.broadcast %broadcast_in_dim3A : f32 to vector<16xf32>
    %sub3A = arith.subf %get3A_5, %get3A_3 : vector<16xf32>
    %div3A = arith.divf %broadcast_in_dim3A_10, %sub3A : vector<16xf32>
    %sub3A_11 = arith.subf %get3A_9, %get3A_7 : vector<16xf32>
    %div3A_12 = arith.divf %broadcast_in_dim3A_10, %sub3A_11 : vector<16xf32>
    %parallel_loop3A = arith.constant 0 : i32
    %parallel_loop3A_13 = arith.constant 200 : i32
    %parallel_loop3A_14 = arith.constant 1 : i32
    scf.for %parallel_loop3A_15 = %parallel_loop3A to %parallel_loop3A_13 step %parallel_loop3A_14  : i32 {
      %parallel_loop3A_16 = arith.constant 0 : i32
      %parallel_loop3A_17 = arith.index_cast %parallel_loop3A_15 : i32 to index
      %parallel_loop3A_18 = arith.index_cast %parallel_loop3A_16 : i32 to index
      %parallel_loop3A_19 = arith.constant 0 : index
      %parallel_loop3A_20 = tpu.vector_load %arg6[%parallel_loop3A_17, %parallel_loop3A_18, %parallel_loop3A_19] {strides = array<i32>} : memref<200x2x128xf32, #tpu.memory_space<vmem>>, vector<16xf32>,
      %parallel_loop3A_21 = arith.constant 1 : i32
      %parallel_loop3A_22 = arith.index_cast %parallel_loop3A_15 : i32 to index
      %parallel_loop3A_23 = arith.index_cast %parallel_loop3A_21 : i32 to index
      %parallel_loop3A_24 = arith.constant 0 : index
      %parallel_loop3A_25 = tpu.vector_load %arg6[%parallel_loop3A_22, %parallel_loop3A_23, %parallel_loop3A_24] {strides = array<i32>} : memref<200x2x128xf32, #tpu.memory_space<vmem>>, vector<16xf32>,
      %parallel_loop3A_26 = arith.subf %parallel_loop3A_20, %get3A_3 : vector<16xf32>
      %parallel_loop3A_27 = arith.mulf %parallel_loop3A_26, %div3A : vector<16xf32>
      %parallel_loop3A_28 = arith.subf %parallel_loop3A_25, %get3A_7 : vector<16xf32>
      %parallel_loop3A_29 = arith.mulf %parallel_loop3A_28, %div3A_12 : vector<16xf32>
      %parallel_loop3A_30 = arith.fptosi %parallel_loop3A_27 : vector<16xf32> to vector<16xi32>
      %parallel_loop3A_31 = arith.fptosi %parallel_loop3A_29 : vector<16xf32> to vector<16xi32>
      %parallel_loop3A_32 = arith.constant 0 : i32
      %parallel_loop3A_33 = arith.index_cast %parallel_loop3A_15 : i32 to index
      %parallel_loop3A_34 = arith.index_cast %parallel_loop3A_32 : i32 to index
      %parallel_loop3A_35 = arith.constant 16 : index
      %parallel_loop3A_36 = tpu.vector_load %arg6[%parallel_loop3A_33, %parallel_loop3A_34, %parallel_loop3A_35] {strides = array<i32>} : memref<200x2x128xf32, #tpu.memory_space<vmem>>, vector<16xf32>,
      %parallel_loop3A_37 = arith.constant 1 : i32
      %parallel_loop3A_38 = arith.index_cast %parallel_loop3A_15 : i32 to index
      %parallel_loop3A_39 = arith.index_cast %parallel_loop3A_37 : i32 to index
      %parallel_loop3A_40 = arith.constant 16 : index
      %parallel_loop3A_41 = tpu.vector_load %arg6[%parallel_loop3A_38, %parallel_loop3A_39, %parallel_loop3A_40] {strides = array<i32>} : memref<200x2x128xf32, #tpu.memory_space<vmem>>, vector<16xf32>,
      %parallel_loop3A_42 = arith.subf %parallel_loop3A_36, %get3A_3 : vector<16xf32>
      %parallel_loop3A_43 = arith.mulf %parallel_loop3A_42, %div3A : vector<16xf32>
      %parallel_loop3A_44 = arith.subf %parallel_loop3A_41, %get3A_7 : vector<16xf32>
      %parallel_loop3A_45 = arith.mulf %parallel_loop3A_44, %div3A_12 : vector<16xf32>
      %parallel_loop3A_46 = arith.fptosi %parallel_loop3A_43 : vector<16xf32> to vector<16xi32>
      %parallel_loop3A_47 = arith.fptosi %parallel_loop3A_45 : vector<16xf32> to vector<16xi32>
      %parallel_loop3A_48 = arith.constant 0 : i32
      %parallel_loop3A_49 = arith.index_cast %parallel_loop3A_15 : i32 to index
      %parallel_loop3A_50 = arith.index_cast %parallel_loop3A_48 : i32 to index
      %parallel_loop3A_51 = arith.constant 32 : index
      %parallel_loop3A_52 = tpu.vector_load %arg6[%parallel_loop3A_49, %parallel_loop3A_50, %parallel_loop3A_51] {strides = array<i32>} : memref<200x2x128xf32, #tpu.memory_space<vmem>>, vector<16xf32>,
      %parallel_loop3A_53 = arith.constant 1 : i32
      %parallel_loop3A_54 = arith.index_cast %parallel_loop3A_15 : i32 to index
      %parallel_loop3A_55 = arith.index_cast %parallel_loop3A_53 : i32 to index
      %parallel_loop3A_56 = arith.constant 32 : index
      %parallel_loop3A_57 = tpu.vector_load %arg6[%parallel_loop3A_54, %parallel_loop3A_55, %parallel_loop3A_56] {strides = array<i32>} : memref<200x2x128xf32, #tpu.memory_space<vmem>>, vector<16xf32>,
      %parallel_loop3A_58 = arith.subf %parallel_loop3A_52, %get3A_3 : vector<16xf32>
      %parallel_loop3A_59 = arith.mulf %parallel_loop3A_58, %div3A : vector<16xf32>
      %parallel_loop3A_60 = arith.subf %parallel_loop3A_57, %get3A_7 : vector<16xf32>
      %parallel_loop3A_61 = arith.mulf %parallel_loop3A_60, %div3A_12 : vector<16xf32>
      %parallel_loop3A_62 = arith.fptosi %parallel_loop3A_59 : vector<16xf32> to vector<16xi32>
      %parallel_loop3A_63 = arith.fptosi %parallel_loop3A_61 : vector<16xf32> to vector<16xi32>
      %parallel_loop3A_64 = arith.constant 0 : i32
      %parallel_loop3A_65 = arith.index_cast %parallel_loop3A_15 : i32 to index
      %parallel_loop3A_66 = arith.index_cast %parallel_loop3A_64 : i32 to index
      %parallel_loop3A_67 = arith.constant 48 : index
      %parallel_loop3A_68 = tpu.vector_load %arg6[%parallel_loop3A_65, %parallel_loop3A_66, %parallel_loop3A_67] {strides = array<i32>} : memref<200x2x128xf32, #tpu.memory_space<vmem>>, vector<16xf32>,
      %parallel_loop3A_69 = arith.constant 1 : i32
      %parallel_loop3A_70 = arith.index_cast %parallel_loop3A_15 : i32 to index
      %parallel_loop3A_71 = arith.index_cast %parallel_loop3A_69 : i32 to index
      %parallel_loop3A_72 = arith.constant 48 : index
      %parallel_loop3A_73 = tpu.vector_load %arg6[%parallel_loop3A_70, %parallel_loop3A_71, %parallel_loop3A_72] {strides = array<i32>} : memref<200x2x128xf32, #tpu.memory_space<vmem>>, vector<16xf32>,
      %parallel_loop3A_74 = arith.subf %parallel_loop3A_68, %get3A_3 : vector<16xf32>
      %parallel_loop3A_75 = arith.mulf %parallel_loop3A_74, %div3A : vector<16xf32>
      %parallel_loop3A_76 = arith.subf %parallel_loop3A_73, %get3A_7 : vector<16xf32>
      %parallel_loop3A_77 = arith.mulf %parallel_loop3A_76, %div3A_12 : vector<16xf32>
      %parallel_loop3A_78 = arith.fptosi %parallel_loop3A_75 : vector<16xf32> to vector<16xi32>
      %parallel_loop3A_79 = arith.fptosi %parallel_loop3A_77 : vector<16xf32> to vector<16xi32>
      %parallel_loop3A_80 = arith.constant 0 : i32
      %parallel_loop3A_81 = arith.index_cast %parallel_loop3A_15 : i32 to index
      %parallel_loop3A_82 = arith.index_cast %parallel_loop3A_80 : i32 to index
      %parallel_loop3A_83 = arith.constant 64 : index
      %parallel_loop3A_84 = tpu.vector_load %arg6[%parallel_loop3A_81, %parallel_loop3A_82, %parallel_loop3A_83] {strides = array<i32>} : memref<200x2x128xf32, #tpu.memory_space<vmem>>, vector<16xf32>,
      %parallel_loop3A_85 = arith.constant 1 : i32
      %parallel_loop3A_86 = arith.index_cast %parallel_loop3A_15 : i32 to index
      %parallel_loop3A_87 = arith.index_cast %parallel_loop3A_85 : i32 to index
      %parallel_loop3A_88 = arith.constant 64 : index
      %parallel_loop3A_89 = tpu.vector_load %arg6[%parallel_loop3A_86, %parallel_loop3A_87, %parallel_loop3A_88] {strides = array<i32>} : memref<200x2x128xf32, #tpu.memory_space<vmem>>, vector<16xf32>,
      %parallel_loop3A_90 = arith.subf %parallel_loop3A_84, %get3A_3 : vector<16xf32>
      %parallel_loop3A_91 = arith.mulf %parallel_loop3A_90, %div3A : vector<16xf32>
      %parallel_loop3A_92 = arith.subf %parallel_loop3A_89, %get3A_7 : vector<16xf32>
      %parallel_loop3A_93 = arith.mulf %parallel_loop3A_92, %div3A_12 : vector<16xf32>
      %parallel_loop3A_94 = arith.fptosi %parallel_loop3A_91 : vector<16xf32> to vector<16xi32>
      %parallel_loop3A_95 = arith.fptosi %parallel_loop3A_93 : vector<16xf32> to vector<16xi32>
      %parallel_loop3A_96 = arith.constant 0 : i32
      %parallel_loop3A_97 = arith.index_cast %parallel_loop3A_15 : i32 to index
      %parallel_loop3A_98 = arith.index_cast %parallel_loop3A_96 : i32 to index
      %parallel_loop3A_99 = arith.constant 80 : index
      %parallel_loop3A_100 = tpu.vector_load %arg6[%parallel_loop3A_97, %parallel_loop3A_98, %parallel_loop3A_99] {strides = array<i32>} : memref<200x2x128xf32, #tpu.memory_space<vmem>>, vector<16xf32>,
      %parallel_loop3A_101 = arith.constant 1 : i32
      %parallel_loop3A_102 = arith.index_cast %parallel_loop3A_15 : i32 to index
      %parallel_loop3A_103 = arith.index_cast %parallel_loop3A_101 : i32 to index
      %parallel_loop3A_104 = arith.constant 80 : index
      %parallel_loop3A_105 = tpu.vector_load %arg6[%parallel_loop3A_102, %parallel_loop3A_103, %parallel_loop3A_104] {strides = array<i32>} : memref<200x2x128xf32, #tpu.memory_space<vmem>>, vector<16xf32>,
      %parallel_loop3A_106 = arith.subf %parallel_loop3A_100, %get3A_3 : vector<16xf32>
      %parallel_loop3A_107 = arith.mulf %parallel_loop3A_106, %div3A : vector<16xf32>
      %parallel_loop3A_108 = arith.subf %parallel_loop3A_105, %get3A_7 : vector<16xf32>
      %parallel_loop3A_109 = arith.mulf %parallel_loop3A_108, %div3A_12 : vector<16xf32>
      %parallel_loop3A_110 = arith.fptosi %parallel_loop3A_107 : vector<16xf32> to vector<16xi32>
      %parallel_loop3A_111 = arith.fptosi %parallel_loop3A_109 : vector<16xf32> to vector<16xi32>
      %parallel_loop3A_112 = arith.constant 0 : i32
      %parallel_loop3A_113 = arith.index_cast %parallel_loop3A_15 : i32 to index
      %parallel_loop3A_114 = arith.index_cast %parallel_loop3A_112 : i32 to index
      %parallel_loop3A_115 = arith.constant 96 : index
      %parallel_loop3A_116 = tpu.vector_load %arg6[%parallel_loop3A_113, %parallel_loop3A_114, %parallel_loop3A_115] {strides = array<i32>} : memref<200x2x128xf32, #tpu.memory_space<vmem>>, vector<16xf32>,
      %parallel_loop3A_117 = arith.constant 1 : i32
      %parallel_loop3A_118 = arith.index_cast %parallel_loop3A_15 : i32 to index
      %parallel_loop3A_119 = arith.index_cast %parallel_loop3A_117 : i32 to index
      %parallel_loop3A_120 = arith.constant 96 : index
      %parallel_loop3A_121 = tpu.vector_load %arg6[%parallel_loop3A_118, %parallel_loop3A_119, %parallel_loop3A_120] {strides = array<i32>} : memref<200x2x128xf32, #tpu.memory_space<vmem>>, vector<16xf32>,
      %parallel_loop3A_122 = arith.subf %parallel_loop3A_116, %get3A_3 : vector<16xf32>
      %parallel_loop3A_123 = arith.mulf %parallel_loop3A_122, %div3A : vector<16xf32>
      %parallel_loop3A_124 = arith.subf %parallel_loop3A_121, %get3A_7 : vector<16xf32>
      %parallel_loop3A_125 = arith.mulf %parallel_loop3A_124, %div3A_12 : vector<16xf32>
      %parallel_loop3A_126 = arith.fptosi %parallel_loop3A_123 : vector<16xf32> to vector<16xi32>
      %parallel_loop3A_127 = arith.fptosi %parallel_loop3A_125 : vector<16xf32> to vector<16xi32>
      %parallel_loop3A_128 = arith.constant 0 : i32
      %parallel_loop3A_129 = arith.index_cast %parallel_loop3A_15 : i32 to index
      %parallel_loop3A_130 = arith.index_cast %parallel_loop3A_128 : i32 to index
      %parallel_loop3A_131 = arith.constant 112 : index
      %parallel_loop3A_132 = tpu.vector_load %arg6[%parallel_loop3A_129, %parallel_loop3A_130, %parallel_loop3A_131] {strides = array<i32>} : memref<200x2x128xf32, #tpu.memory_space<vmem>>, vector<16xf32>,
      %parallel_loop3A_133 = arith.constant 1 : i32
      %parallel_loop3A_134 = arith.index_cast %parallel_loop3A_15 : i32 to index
      %parallel_loop3A_135 = arith.index_cast %parallel_loop3A_133 : i32 to index
      %parallel_loop3A_136 = arith.constant 112 : index
      %parallel_loop3A_137 = tpu.vector_load %arg6[%parallel_loop3A_134, %parallel_loop3A_135, %parallel_loop3A_136] {strides = array<i32>} : memref<200x2x128xf32, #tpu.memory_space<vmem>>, vector<16xf32>,
      %parallel_loop3A_138 = arith.subf %parallel_loop3A_132, %get3A_3 : vector<16xf32>
      %parallel_loop3A_139 = arith.mulf %parallel_loop3A_138, %div3A : vector<16xf32>
      %parallel_loop3A_140 = arith.subf %parallel_loop3A_137, %get3A_7 : vector<16xf32>
      %parallel_loop3A_141 = arith.mulf %parallel_loop3A_140, %div3A_12 : vector<16xf32>
      %parallel_loop3A_142 = arith.fptosi %parallel_loop3A_139 : vector<16xf32> to vector<16xi32>
      %parallel_loop3A_143 = arith.fptosi %parallel_loop3A_141 : vector<16xf32> to vector<16xi32>
      %parallel_loop3A_144 = tpu.vector_load_idx %arg7[%parallel_loop3A_30, %parallel_loop3A_31] : memref<128x128xf32, #tpu.memory_space<vmem>>[vector<16xi32>, vector<16xi32>], vector<16xf32>,
      %parallel_loop3A_145 = tpu.vector_load_idx %arg7[%parallel_loop3A_46, %parallel_loop3A_47] : memref<128x128xf32, #tpu.memory_space<vmem>>[vector<16xi32>, vector<16xi32>], vector<16xf32>,
      %parallel_loop3A_146 = tpu.vector_load_idx %arg7[%parallel_loop3A_62, %parallel_loop3A_63] : memref<128x128xf32, #tpu.memory_space<vmem>>[vector<16xi32>, vector<16xi32>], vector<16xf32>,
      %parallel_loop3A_147 = tpu.vector_load_idx %arg7[%parallel_loop3A_78, %parallel_loop3A_79] : memref<128x128xf32, #tpu.memory_space<vmem>>[vector<16xi32>, vector<16xi32>], vector<16xf32>,
      %parallel_loop3A_148 = tpu.vector_load_idx %arg7[%parallel_loop3A_94, %parallel_loop3A_95] : memref<128x128xf32, #tpu.memory_space<vmem>>[vector<16xi32>, vector<16xi32>], vector<16xf32>,
      %parallel_loop3A_149 = tpu.vector_load_idx %arg7[%parallel_loop3A_110, %parallel_loop3A_111] : memref<128x128xf32, #tpu.memory_space<vmem>>[vector<16xi32>, vector<16xi32>], vector<16xf32>,
      %parallel_loop3A_150 = tpu.vector_load_idx %arg7[%parallel_loop3A_126, %parallel_loop3A_127] : memref<128x128xf32, #tpu.memory_space<vmem>>[vector<16xi32>, vector<16xi32>], vector<16xf32>,
      %parallel_loop3A_151 = tpu.vector_load_idx %arg7[%parallel_loop3A_142, %parallel_loop3A_143] : memref<128x128xf32, #tpu.memory_space<vmem>>[vector<16xi32>, vector<16xi32>], vector<16xf32>,
      %parallel_loop3A_152 = arith.index_cast %parallel_loop3A_15 : i32 to index
      %parallel_loop3A_153 = arith.constant 0 : index
      %parallel_loop3A_154 = tpu.vector_load %arg8[%parallel_loop3A_152, %parallel_loop3A_153] {strides = array<i32>} : memref<200x128xf32, #tpu.memory_space<vmem>>, vector<16xf32>,
      tpu.vector_store %arg8[%parallel_loop3A_152, %parallel_loop3A_153], %parallel_loop3A_144 {strides = array<i32>} : memref<200x128xf32, #tpu.memory_space<vmem>>, vector<16xf32>,
      %parallel_loop3A_155 = arith.index_cast %parallel_loop3A_15 : i32 to index
      %parallel_loop3A_156 = arith.constant 16 : index
      %parallel_loop3A_157 = tpu.vector_load %arg8[%parallel_loop3A_155, %parallel_loop3A_156] {strides = array<i32>} : memref<200x128xf32, #tpu.memory_space<vmem>>, vector<16xf32>,
      tpu.vector_store %arg8[%parallel_loop3A_155, %parallel_loop3A_156], %parallel_loop3A_145 {strides = array<i32>} : memref<200x128xf32, #tpu.memory_space<vmem>>, vector<16xf32>,
      %parallel_loop3A_158 = arith.index_cast %parallel_loop3A_15 : i32 to index
      %parallel_loop3A_159 = arith.constant 32 : index
      %parallel_loop3A_160 = tpu.vector_load %arg8[%parallel_loop3A_158, %parallel_loop3A_159] {strides = array<i32>} : memref<200x128xf32, #tpu.memory_space<vmem>>, vector<16xf32>,
      tpu.vector_store %arg8[%parallel_loop3A_158, %parallel_loop3A_159], %parallel_loop3A_146 {strides = array<i32>} : memref<200x128xf32, #tpu.memory_space<vmem>>, vector<16xf32>,
      %parallel_loop3A_161 = arith.index_cast %parallel_loop3A_15 : i32 to index
      %parallel_loop3A_162 = arith.constant 48 : index
      %parallel_loop3A_163 = tpu.vector_load %arg8[%parallel_loop3A_161, %parallel_loop3A_162] {strides = array<i32>} : memref<200x128xf32, #tpu.memory_space<vmem>>, vector<16xf32>,
      tpu.vector_store %arg8[%parallel_loop3A_161, %parallel_loop3A_162], %parallel_loop3A_147 {strides = array<i32>} : memref<200x128xf32, #tpu.memory_space<vmem>>, vector<16xf32>,
      %parallel_loop3A_164 = arith.index_cast %parallel_loop3A_15 : i32 to index
      %parallel_loop3A_165 = arith.constant 64 : index
      %parallel_loop3A_166 = tpu.vector_load %arg8[%parallel_loop3A_164, %parallel_loop3A_165] {strides = array<i32>} : memref<200x128xf32, #tpu.memory_space<vmem>>, vector<16xf32>,
      tpu.vector_store %arg8[%parallel_loop3A_164, %parallel_loop3A_165], %parallel_loop3A_148 {strides = array<i32>} : memref<200x128xf32, #tpu.memory_space<vmem>>, vector<16xf32>,
      %parallel_loop3A_167 = arith.index_cast %parallel_loop3A_15 : i32 to index
      %parallel_loop3A_168 = arith.constant 80 : index
      %parallel_loop3A_169 = tpu.vector_load %arg8[%parallel_loop3A_167, %parallel_loop3A_168] {strides = array<i32>} : memref<200x128xf32, #tpu.memory_space<vmem>>, vector<16xf32>,
      tpu.vector_store %arg8[%parallel_loop3A_167, %parallel_loop3A_168], %parallel_loop3A_149 {strides = array<i32>} : memref<200x128xf32, #tpu.memory_space<vmem>>, vector<16xf32>,
      %parallel_loop3A_170 = arith.index_cast %parallel_loop3A_15 : i32 to index
      %parallel_loop3A_171 = arith.constant 96 : index
      %parallel_loop3A_172 = tpu.vector_load %arg8[%parallel_loop3A_170, %parallel_loop3A_171] {strides = array<i32>} : memref<200x128xf32, #tpu.memory_space<vmem>>, vector<16xf32>,
      tpu.vector_store %arg8[%parallel_loop3A_170, %parallel_loop3A_171], %parallel_loop3A_150 {strides = array<i32>} : memref<200x128xf32, #tpu.memory_space<vmem>>, vector<16xf32>,
      %parallel_loop3A_173 = arith.index_cast %parallel_loop3A_15 : i32 to index
      %parallel_loop3A_174 = arith.constant 112 : index
      %parallel_loop3A_175 = tpu.vector_load %arg8[%parallel_loop3A_173, %parallel_loop3A_174] {strides = array<i32>} : memref<200x128xf32, #tpu.memory_space<vmem>>, vector<16xf32>,
      tpu.vector_store %arg8[%parallel_loop3A_173, %parallel_loop3A_174], %parallel_loop3A_151 {strides = array<i32>} : memref<200x128xf32, #tpu.memory_space<vmem>>, vector<16xf32>,
    } {sc.loop_unroll_factor = 2 : i64, sc.parallel_access}
    "tpu.region"() ({
      %run_scoped3A = tpu.sem_alloc : memref<!tpu.dma_semaphore, #tpu.memory_space<semaphore_mem>>
      %dma_start3A = arith.constant 0 : i32
      %dma_start3A_15 = tpu.memref_slice %arg5[%dma_start3A, %mul3A_2] : memref<200x4096xf32, #tpu.memory_space<hbm>> -> memref<200x128xf32, #tpu.memory_space<hbm>>
      %dma_start3A_16 = arith.constant 0 : i32
      %dma_start3A_17 = tpu.memref_slice %arg5[%dma_start3A_16, %mul3A_2] : memref<200x4096xf32, #tpu.memory_space<hbm>> -> memref<200x128xf32, #tpu.memory_space<hbm>>
      tpu.enqueue_dma source(%arg8 : memref<200x128xf32, #tpu.memory_space<vmem>>) target(%dma_start3A_17 : memref<200x128xf32, #tpu.memory_space<hbm>>) target_semaphore(%run_scoped3A : memref<!tpu.dma_semaphore, #tpu.memory_space<semaphore_mem>>)
      %dma_wait3A = arith.constant 0 : i32
      %dma_wait3A_18 = tpu.memref_slice %arg5[%dma_wait3A, %mul3A_2] : memref<200x4096xf32, #tpu.memory_space<hbm>> -> memref<200x128xf32, #tpu.memory_space<hbm>>
      %dma_wait3A_19 = arith.constant 0 : i32
      %dma_wait3A_20 = tpu.memref_slice %arg5[%dma_wait3A_19, %mul3A_2] : memref<200x4096xf32, #tpu.memory_space<hbm>> -> memref<200x128xf32, #tpu.memory_space<hbm>>
      tpu.wait_dma2 semaphore(%run_scoped3A : memref<!tpu.dma_semaphore, #tpu.memory_space<semaphore_mem>>) src(%arg8 : memref<200x128xf32, #tpu.memory_space<vmem>>) dst(%dma_wait3A_20 : memref<200x128xf32, #tpu.memory_space<hbm>>)
      tpu.yield
    }) : () -> ()
    return
  }
}

</mosaic_0001>

<sc_bundles>
// kernel: kernel.3.cloned.1.call-start
scs
__scs_entry_jumppad:
0x0: {  	(pc) =	sbr.rel $0x88, $3  }
0x1: {  	(tag) =	ssettag $0x0;
	lr =	simm.s32 $0x1  }
0x2: {  	[smem:$0x3F9E] =	sst lr;
	_ =	strace $0xD0000000  }
0x3: {  	_ = 	snop  }
0x4: {  	_ = 	snop  }
0x5: {  	_ = 	snop  }
0x6: {  	_ = 	snop  }
0x7: {  	_ = 	snop  }
__scs_overlays_trampoline_lowered:
0x8: {  	[smem:$0x3FAD] =	sst s0  }
0x9: {  	[smem:$0x3FAE] =	sst s1  }
0xa: {  	[smem:$0x3FAF] =	sst s2  }
0xb: {  	[smem:$0x3FB0] =	sst s3  }
0xc: {  	[smem:$0x3FB1] =	sst s4  }
0xd: {  	[smem:$0x3FB2] =	sst s5  }
0xe: {  	[smem:$0x3FB3] =	sst s6  }
0xf: {  	[smem:$0x3FB4] =	sst s7  }
0x10: {  	[smem:$0x3FB5] =	sst s8  }
0x11: {  	[smem:$0x3FB6] =	sst s9;
	s0 =	simm.s32 @!p0 $0x0  }
0x12: {  	s1 =	sld [smem:$0x3F9C];
	s0 =	simm.s32 @p0 $0x1  }
0x13: {  	[smem:$0x3FB7] =	sst s0;
	s0 =	simm.s32 @!p1 $0x0  }
0x14: {  	s2 =	sld [smem:$0x3F9B];
	s0 =	simm.s32 @p1 $0x1  }
0x15: {  	[smem:$0x3FB8] =	sst s0;
	s0 =	simm.s32 @!p2 $0x0  }
0x16: {  	s3 =	sld [smem:$0x3FDB];
	s0 =	simm.s32 @p2 $0x1  }
0x17: {  	s4 =	simm.s32 $0x1BF5;
	[smem:$0x3FBA] =	sst s0  }
0x18: {  	s0 =	sld [smem:$0x3F9D];
	_ =	swait.ge [sflag:s4], $0x0  }
0x19: {  	s7 =	sld [smem:$0x3F9E]  }
0x1a: {  	s8 =	sadd.s32 $0xFFFFE003, lr  }
0x1b: {  	s9 =	sadd.s32 $0xFFFFFEF7, lr;
	s5 =	simm.s32 $0xFFFFFFFF;
	p2 =	slt.u32 s8, $0xFFFFF086  }
0x1c: {  	p1 =	slt.u32 s9, $0xF7A;
	s5 =	simm.s32 @!p2 $0x0  }
0x1d: {  	s5 =	simm.s32 @p1 $0x1;
	p0 =	seq.s32 s7, s2  }
0x1e: {  	s7 =	smul.u32 @!p0 $0xF7A, s2;
	p2 =	seq.s32 @!p0 s5, $0x0  }
0x1f: {  	s9 =	smul.u32 $0xF7A, s1;
	s8 =	simm.s32 @!p0 $0x1BF5;
	p2 =	por !p2, p0  }
0x20: {  	[sflag:s8] =	ssyncset.s32 @!p0 $0xFFFFF086;
	s6 =	sadd.s32 @!p0 s3, s7;
	s7 =	simm.s32 @!p0 $0x108  }
0x21: {  	s3 =	sadd.s32 s3, s9;
	s6 =	sadd.s32 @!p0 $0x88, s6;
	s7 =	simm.s32 @p2 $0x1082  }
0x22: {  	[simem:s7], [sflag:s8] =	dma.local @!p0 [hbm:s6], $0xF7A  }
0x23: {  	s9 =	sor.u32 $0xD0000000, s2;
	s6 =	simm.s32 $0x108;
	_ =	swait.ge @!p0 [sflag:s8], $0x0  }
0x24: {  	s3 =	sadd.s32 $0x88, s3;
	s6 =	simm.s32 @!p1 $0x1082;
	[sflag:s4] =	ssyncset.s32 $0xFFFFF086  }
0x25: {  	[simem:s6], [sflag:s4] =	dma.local [hbm:s3], $0xF7A  }
0x26: {  	[smem:$0x3F9E] =	sst s1;
	(tag) =	ssettag s2;
	_ =	strace s9  }
0x27: {  	s1 =	sld [smem:$0x3FAE]  }
0x28: {  	s2 =	sld [smem:$0x3FAF]  }
0x29: {  	s4 =	sld [smem:$0x3FB1]  }
0x2a: {  	p0 =	seq.s32 s5, $0x0;
	s5 =	sld [smem:$0x3FB2]  }
0x2b: {  	s6 =	sld [smem:$0x3FB3]  }
0x2c: {  	s7 =	sld [smem:$0x3FB4]  }
0x2d: {  	s3 =	simm.s32 $0x108;
	s8 =	sld [smem:$0x3FB5]  }
0x2e: {  	s3 =	simm.s32 @!p0 $0x1082;
	s9 =	sld [smem:$0x3FB6]  }
0x2f: {  	lr =	sadd.s32 s0, s3;
	s0 =	sld [smem:$0x3FAD]  }
0x30: {  	s3 =	sld [smem:$0x3FB0]  }
0x31: {  	[smem:$0x3FB9] =	sst s10  }
0x32: {  	s10 =	sld [smem:$0x3FB7];
	_ =	sdelay $0x3  }
0x33: {  	p0 =	seq.s32 s10, $0x1;
	s10 =	sld [smem:$0x3FB9];
	_ =	sdelay $0x3  }
0x34: {  	[smem:$0x3FB9] =	sst s10  }
0x35: {  	s10 =	sld [smem:$0x3FB8];
	_ =	sdelay $0x3  }
0x36: {  	p1 =	seq.s32 s10, $0x1;
	s10 =	sld [smem:$0x3FB9];
	_ =	sdelay $0x3  }
0x37: {  	[smem:$0x3FB9] =	sst s10  }
0x38: {  	s10 =	sld [smem:$0x3FBA]  }
0x39: {  	_ = 	snop;
	(pc) =	sbr.ind lr, $3  }
0x3a: {  	_ = 	snop  }
0x3b: {  	_ = 	snop  }
0x3c: {  	p2 =	seq.s32 s10, $0x1;
	s10 =	sld [smem:$0x3FB9]  }
0x3d: {  	_ =	shalt  }
0x3e: {  	_ =	shalt  }
0x3f: {  	_ =	shalt  }
0x40: {  	_ =	shalt  }
0x41: {  	_ =	shalt  }
0x42: {  	_ =	shalt  }
0x43: {  	_ =	shalt  }
0x44: {  	_ =	shalt  }
0x45: {  	_ =	shalt  }
0x46: {  	_ =	shalt  }
0x47: {  	_ =	shalt  }
0x48: {  	_ =	shalt  }
0x49: {  	_ =	shalt  }
0x4a: {  	_ =	shalt  }
0x4b: {  	_ =	shalt  }
0x4c: {  	_ =	shalt  }
0x4d: {  	_ =	shalt  }
0x4e: {  	_ =	shalt  }
0x4f: {  	_ =	shalt  }
0x50: {  	_ =	shalt  }
0x51: {  	_ =	shalt  }
0x52: {  	_ =	shalt  }
0x53: {  	_ =	shalt  }
0x54: {  	_ =	shalt  }
0x55: {  	_ =	shalt  }
0x56: {  	_ =	shalt  }
0x57: {  	_ =	shalt  }
0x58: {  	_ =	shalt  }
0x59: {  	_ =	shalt  }
0x5a: {  	_ =	shalt  }
0x5b: {  	_ =	shalt  }
0x5c: {  	_ =	shalt  }
0x5d: {  	_ =	shalt  }
0x5e: {  	_ =	shalt  }
0x5f: {  	_ =	shalt  }
0x60: {  	_ =	shalt  }
0x61: {  	_ =	shalt  }
0x62: {  	_ =	shalt  }
0x63: {  	_ =	shalt  }
0x64: {  	_ =	shalt  }
0x65: {  	_ =	shalt  }
0x66: {  	_ =	shalt  }
0x67: {  	_ =	shalt  }
0x68: {  	_ =	shalt  }
0x69: {  	_ =	shalt  }
0x6a: {  	_ =	shalt  }
0x6b: {  	_ =	shalt  }
0x6c: {  	_ =	shalt  }
0x6d: {  	_ =	shalt  }
0x6e: {  	_ =	shalt  }
0x6f: {  	_ =	shalt  }
0x70: {  	_ =	shalt  }
0x71: {  	_ =	shalt  }
0x72: {  	_ =	shalt  }
0x73: {  	_ =	shalt  }
0x74: {  	_ =	shalt  }
0x75: {  	_ =	shalt  }
0x76: {  	_ =	shalt  }
0x77: {  	_ =	shalt  }
0x78: {  	_ =	shalt  }
0x79: {  	_ =	shalt  }
0x7a: {  	_ =	shalt  }
0x7b: {  	_ =	shalt  }
0x7c: {  	_ =	shalt  }
0x7d: {  	_ =	shalt  }
0x7e: {  	_ =	shalt  }
0x7f: {  	_ =	shalt  }
0x80: {  	_ =	shalt  }
0x81: {  	_ =	shalt  }
0x82: {  	_ =	shalt  }
0x83: {  	_ =	shalt  }
0x84: {  	_ =	shalt  }
0x85: {  	_ =	shalt  }
0x86: {  	_ =	shalt  }
0x87: {  	_ =	shalt  }
.Lfunc_end0:
.L_simem_size_0:
called_computation_lowered:
.L_overlay_start_0:
0x88: {  	s2 =	sld [smem:$0x3FD9]  }
0x89: {  	s3 =	sld [smem:$0x3FFE];
	_ =	sdelay $0x1  }
0x8a: {  	s1 =	srdreg.scid  }
0x8b: {  	s0 =	sand.u32 $0x1, s1  }
0x8c: {  	s17 =	sshll.u32 s0, $0xA;
	s2 =	sadd.s32 s3, s2  }
0x8d: {  	s2 =	sadd.s32 s2, s17  }
0x8e: {  	[smem:$0x3FC5] =	sst s2  }
0x8f: {  	_ = 	snop  }
0x90: {  	s2 =	sld [smem:$0x3FC9]  }
0x91: {  	s18 =	sld [smem:$0x3FC8]  }
0x92: {  	s4 =	sld [smem:$0x3FD0];
	(tm) =	ssettm $0x1  }
0x93: {  	s5 =	sld [smem:$0x3FFB];
	_ =	sdelay $0x3  }
0x94: {  	_ =	strace s5  }
0x95: {  	s5 =	sld [smem:$0x3FFC];
	_ =	sdelay $0x3  }
0x96: {  	_ =	strace s5  }
0x97: {  	s5 =	sld [smem:$0x3FFD];
	_ =	sdelay $0x3  }
0x98: {  	_ =	strace s5  }
0x99: {  	_ =	strace $0x8FFFFFFF  }
0x9a: {  	s19 =	sld [smem:$0x3FDB];
	_ =	sdelay $0x1  }
0x9b: {  	s6 =	simm.s32 $_scs_section_size  }
0x9c: {  	s7 =	simm.s32 $_size__tile_overlayer_lowered;
	s8 =	simm.s32 $_tile_overlayer_lowered  }
0x9d: {  	s22 =	simm.s32 $0x1BFF;
	s21 =	sshll.u32 s8, $0x1;
	s5 =	sadd.s32 s6, s19  }
0x9e: {  	s9 =	simm.s32 $0x0;
	s20 =	sshll.u32 s7, $0x1;
	s7 =	sadd.s32 s21, s5  }
0x9f: {  	[timem:s9], [sflag:s22] =	dma.local [hbm:s7], s20  }
0xa0: {  	_ =	swait.ge [sflag:s22], s20  }
0xa1: {  	s6 =	ssub.s32 $0x0, s20;
	[sflag:s22] =	ssyncset.done $0x0  }
0xa2: {  	[sflag:s22] =	ssyncadd.s32 s6;
	_ =	sdelay $0x1  }
0xa3: {  	s23 =	simm.s32 $0x1B8B  }
0xa4: {  	_ =	swait.ge [sflag:s23], $0x1  }
0xa5: {  	[sflag:s23] =	ssyncset.done $0x0  }
0xa6: {  	s25 =	simm.s32 $0x1B8E;
	s24 =	sld [smem:$0x3FFE];
	[sflag:s23] =	ssyncadd.s32 $0xFFFFFFFF  }
0xa7: {  	s26 =	simm.s32 $execute0_lowered;
	[smem:$0x3FD2] =	sst s25  }
0xa8: {  	s7 =	sshll.u32 s26, $0x1;
	_ =	strace $0x80000046;
	[dreg:$0x1] =	wrdreg $0xFFFFFFFF  }
0xa9: {  	s28 =	simm.s32 $_size_execute0_lowered;
	s5 =	sadd.s32 s5, s7;
	[dreg:$0x0] =	wrdreg $0x0  }
0xaa: {  	s7 =	sshll.u32 s28, $0x1;
	[dreg:$0x2] =	wrdreg s5  }
0xab: {  	[dreg:$0x3] =	wrdreg s7  }
0xac: {  	[dreg:$0x4] =	wrdreg $0xC0  }
0xad: {  	_ =	task [dreg:s9], $0x5FFFF  }
0xae: {  	[dreg:$0x1] =	wrdreg $0xFFFFFFFF  }
0xaf: {  	[dreg:$0x0] =	wrdreg $0x60  }
0xb0: {  	[dreg:$0x2] =	wrdreg s2  }
0xb1: {  	[dreg:$0x3] =	wrdreg s18  }
0xb2: {  	[dreg:$0x4] =	wrdreg s4  }
0xb3: {  	[dreg:$0x5] =	wrdreg s24  }
0xb4: {  	[dreg:$0x6] =	wrdreg $0x9  }
0xb5: {  	_ =	task.clear_ibuf [dreg:s9], $0x7FFFF;
	_ =	strace $0x90000046  }
0xb6: {  	s29 =	simm.s32 $0x9;
	_ =	strace $0x80000048  }
0xb7: {  	_ =	swait.ge [sflag:s29], $0x1  }
0xb8: {  	[sflag:s29] =	ssyncadd.s32 $0xFFFFFFFF  }
0xb9: {  	_ =	strace $0x90000048  }
0xba: {  	_ =	sfence  }
0xbb: {  	s30 =	sld [smem:$0x0];
	_ =	sdelay $0x2  }
0xbc: {  	s31 =	sshll.u32 s1, $0xD;
	s1 =	sshrl.u32 s1, $0x2  }
0xbd: {  	s3 =	sand.u32 $0x4000, s31;
	s1 =	sadd.s32 s1, s30  }
0xbe: {  	s0 =	sor.u32 s3, s0;
	s1 =	sshll.u32 s1, $0x11  }
0xbf: {  	s0 =	sor.u32 s1, s0  }
0xc0: {  	s0 =	sadd.s32 $0x8F2B, s0  }
0xc1: {  	[sflag:s0] =	ssyncadd.remote.s32 $0x1  }
0xc2: {  	_ =	sfence.sel $0xFFFF  }
0xc3: {  	[dreg:$0x0] =	wrdreg $0xFFFFFFFF;
	(pc) =	sbr.abs _section_cstart, $3  }
0xc4: {  	[dreg:$0x1] =	wrdreg $0xFFFFFFFF  }
0xc5: {  	_ =	task.clear_ibuf [dreg:s9], $0x2FFFF;
	_ =	strace $0x9FFFFFFF  }
0xc6: {  	(tm) =	ssettm $0x7FFFFFFF  }
0xc7: {  	_ =	shalt  }
tec
execute0_lowered:
.L_overlay_start_1:
0x0: {  	(tag) =	ssettag $0x1  }
0x1: {  	s5 =	rddreg [dreg:$0x0]  }
0x2: {  	s1 =	rddreg [dreg:$0x1]  }
0x3: {  	s3 =	rddreg [dreg:$0x2]  }
0x4: {  	s6 =	rddreg [dreg:$0x3]  }
0x5: {  	s0 =	rddreg [dreg:$0x4];
	s7 =	srdreg.scid  }
0x6: {  	s2 =	stileid.u32;
	s4 =	simm.s32 $0x0;
	s10 =	simm.s32 $0xC800  }
0x7: {  	s11 =	simm.s32 $0x16C00;
	s12 =	simm.s32 $0x400;
	s13 =	simm.s32 $0x8000  }
0x8: {  	s14 =	simm.s32 $0x10800;
	s7 =	sand.u32 $0x1, s7;
	s8 =	sshll.u32 s2, $0x1  }
0x9: {  	s15 =	simm.s32 $0x0;
	[smem:$0x7FF] =	sst s4;
	s8 =	sor.u32 s7, s8  }
0xa: {  	_ =	strace $0x80000047;
	s7 =	ssub.s32 $0x2, s7;
	s9 =	sshll.u32 s8, $0x7  }
0xb: {  	s31 =	sshrl.u32 s7, $0x1;
	s8 =	sshll.u32 s8, $0x5;
	s6 =	sadd.s32 s9, s6  }
0xc: {  	s7 =	ssub.s32 s7, s31;
	s5 =	sadd.s32 s5, s8;
	s8 =	simm.s32 $0x2000  }
0xd: {  	s9 =	simm.s32 $0x1;
	s6 =	sadd.s32 $0x400, s6;
	s7 =	smax.u32 s7, $0x1  }
.LBB2_1:
0xe: {  	s16 =	simm.s32 $0x100  }
0xf: {  	[tilespmem:s4], [sflag:$0x1] =	stream.strided.gather [hbm4b:s5+s16], $0xC800, s8, s16, $0x38;
	[tilespmem:$0x16C80] =	vst v63  }
0x10: {  	_ =	swait.ge [sflag:s9], $0xC800  }
0x11: {  	[sflag:s9] =	ssyncset.done $0x0  }
0x12: {  	[sflag:s9] =	ssyncadd.s32 $0xFFFF3800  }
0x13: {  	[tilespmem:s10], [sflag:$0x1] =	stream.linear.gather [hbm4b:s1+s4], $0x4000, $0x38;
	[tilespmem:$0x16C80] =	vst v63  }
0x14: {  	_ =	swait.ge [sflag:s9], $0x4000  }
0x15: {  	[sflag:s9] =	ssyncset.done $0x0  }
0x16: {  	[sflag:s9] =	ssyncadd.s32 $0xFFFFC000  }
0x17: {  	[tilespmem:s11], [sflag:$0x1] =	stream.linear.gather [hbm4b:s3+s4], $0x80, $0x38;
	[tilespmem:$0x16C80] =	vst v63  }
0x18: {  	_ =	swait.ge [sflag:s9], $0x80  }
0x19: {  	[sflag:s9] =	ssyncset.done $0x0  }
0x1a: {  	[sflag:s9] =	ssyncadd.s32 $0xFFFFFF80  }
0x1b: {  	v0 =	vld [tilespmem:$0x16C00]  }
0x1c: {  	v2 =	vld [tilespmem:$0x16C10]  }
0x1d: {  	v1 =	vld [tilespmem:$0x16C20]  }
0x1e: {  	v3 =	vld [tilespmem:$0x16C30];
	_ =	sdelay $0x1  }
0x1f: {  	v4 =	vld [tilespmem:s16+$0x0]  }
0x20: {  	v5 =	vld [tilespmem:s16+$0x80];
	v2 =	vsub.f32 v2, v0  }
0x21: {  	v6 =	vld [tilespmem:s16+$0x20]  }
0x22: {  	v7 =	vld [tilespmem:s16+$0xA0];
	v3 =	vsub.f32 v3, v1;
	(erf) = vrcp.f32 v2  }
0x23: {  	v8 =	vld [tilespmem:s16+$0x30]  }
0x24: {  	v9 =	vld [tilespmem:s16+$0xB0];
	(erf) = vrcp.f32 v3  }
0x25: {  	v10 =	vld [tilespmem:s16+$0x40]  }
0x26: {  	v11 =	vld [tilespmem:s16+$0xC0]  }
0x27: {  	v2 =	vld [tilespmem:s16+$0x10]  }
0x28: {  	v3 =	vld [tilespmem:s16+$0x90]  }
0x29: {  	v12 =	vld [tilespmem:s16+$0x50];
	v4 =	vsub.f32 v4, v0;
	v5 =	vsub.f32 v5, v1  }
0x2a: {  	v18 =	vld [tilespmem:s16+$0x70];
	v6 =	vsub.f32 v6, v0;
	v7 =	vsub.f32 v7, v1  }
0x2b: {  	v16 =	vld [tilespmem:s16+$0xD0];
	v8 =	vsub.f32 v8, v0;
	v9 =	vsub.f32 v9, v1;
	v13 =	vpop (erf)  }
0x2c: {  	v17 =	vld [tilespmem:s16+$0xE0];
	v10 =	vsub.f32 v10, v0;
	v14 =	vsub.f32 v2, v0;
	v2 =	vmul.f32 $1.280000000e+02, v13  }
0x2d: {  	v19 =	vld [tilespmem:s16+$0xF0];
	v11 =	vsub.f32 v11, v1;
	v15 =	vsub.f32 v3, v1;
	v3 =	vpop (erf)  }
0x2e: {  	v20 =	vld [tilespmem:s16+$0xFFFFFF80];
	v12 =	vsub.f32 v12, v0;
	v3 =	vmul.f32 $1.280000000e+02, v3;
	v4 =	vmul.f32 v4, v2  }
0x2f: {  	v21 =	vld [tilespmem:s16+$0xFFFFFF10];
	v18 =	vsub.f32 v18, v0;
	v14 =	vmul.f32 v14, v2;
	v6 =	vmul.f32 v6, v2  }
0x30: {  	v22 =	vld [tilespmem:s16+$0xFFFFFF90];
	v16 =	vsub.f32 v16, v1;
	v8 =	vmul.f32 v8, v2;
	v10 =	vmul.f32 v10, v2  }
0x31: {  	v23 =	vld [tilespmem:s16+$0xFFFFFF20];
	v17 =	vsub.f32 v17, v1;
	v12 =	vmul.f32 v12, v2;
	v18 =	vmul.f32 v18, v2  }
0x32: {  	v24 =	vld [tilespmem:s16+$0xFFFFFFA0];
	v19 =	vsub.f32 v19, v1;
	v5 =	vmul.f32 v5, v3;
	v15 =	vmul.f32 v15, v3  }
0x33: {  	v25 =	vld [tilespmem:s16+$0xFFFFFF30];
	v20 =	vsub.f32 v20, v1;
	v7 =	vmul.f32 v7, v3;
	v9 =	vmul.f32 v9, v3  }
0x34: {  	v26 =	vld [tilespmem:s16+$0xFFFFFFB0];
	v21 =	vsub.f32 v21, v0;
	v11 =	vmul.f32 v11, v3;
	v16 =	vmul.f32 v16, v3  }
0x35: {  	v27 =	vld [tilespmem:s16+$0xFFFFFF40];
	v22 =	vsub.f32 v22, v1;
	v17 =	vmul.f32 v17, v3;
	v19 =	vmul.f32 v19, v3  }
0x36: {  	v28 =	vld [tilespmem:s16+$0xFFFFFFC0];
	v23 =	vsub.f32 v23, v0;
	v4 =	vtrunc.f32 v4;
	v14 =	vtrunc.f32 v14  }
0x37: {  	v29 =	vld [tilespmem:s16+$0xFFFFFF50];
	v24 =	vsub.f32 v24, v1;
	v6 =	vtrunc.f32 v6;
	v8 =	vtrunc.f32 v8  }
0x38: {  	v30 =	vld [tilespmem:s16+$0xFFFFFFD0];
	v25 =	vsub.f32 v25, v0;
	v10 =	vtrunc.f32 v10;
	v12 =	vtrunc.f32 v12  }
0x39: {  	v31 =	vld [tilespmem:s16+$0xFFFFFF60];
	v26 =	vsub.f32 v26, v1;
	v18 =	vtrunc.f32 v18;
	v5 =	vtrunc.f32 v5  }
0x3a: {  	v32 =	vld [tilespmem:s16+$0xFFFFFFE0];
	v27 =	vsub.f32 v27, v0;
	v15 =	vtrunc.f32 v15;
	v7 =	vtrunc.f32 v7  }
0x3b: {  	v33 =	vld [tilespmem:s16+$0xFFFFFF70];
	v28 =	vsub.f32 v28, v1;
	v9 =	vtrunc.f32 v9;
	v11 =	vtrunc.f32 v11  }
0x3c: {  	s31 =	simm.s32 $0x300;
	v34 =	vld [tilespmem:s16+$0xFFFFFFF0];
	v29 =	vsub.f32 v29, v0;
	v16 =	vtrunc.f32 v16;
	v17 =	vtrunc.f32 v17  }
0x3d: {  	v51 =	vld [tilespmem:s31+$0x10];
	v30 =	vsub.f32 v30, v1;
	v19 =	vtrunc.f32 v19;
	v4 =	vcvt.f32.s32 v4  }
0x3e: {  	v31 =	vsub.f32 v31, v0;
	v13 =	vld [tilespmem:s16+$0x60];
	v14 =	vcvt.f32.s32 v14;
	v6 =	vcvt.f32.s32 v6  }
0x3f: {  	v52 =	vld [tilespmem:s31+$0x90];
	v32 =	vsub.f32 v32, v1;
	v8 =	vcvt.f32.s32 v8;
	v10 =	vcvt.f32.s32 v10  }
0x40: {  	v33 =	vsub.f32 v33, v0;
	v12 =	vcvt.f32.s32 v12;
	v18 =	vcvt.f32.s32 v18  }
0x41: {  	v34 =	vsub.f32 v34, v1;
	v5 =	vcvt.f32.s32 v5;
	v15 =	vcvt.f32.s32 v15  }
0x42: {  	v61 =	vsub.f32 v51, v0;
	v7 =	vcvt.f32.s32 v7;
	v9 =	vcvt.f32.s32 v9  }
0x43: {  	v13 =	vsub.f32 v13, v0;
	v11 =	vcvt.f32.s32 v11;
	v16 =	vcvt.f32.s32 v16  }
0x44: {  	v62 =	vsub.f32 v52, v1;
	v17 =	vcvt.f32.s32 v17;
	v19 =	vcvt.f32.s32 v19  }
0x45: {  	v13 =	vmul.f32 v13, v2;
	v4 =	vshll.u32 v4, $0x7;
	v14 =	vshll.u32 v14, $0x7  }
0x46: {  	v44 =	vshll.u32 v6, $0x7;
	v46 =	vshll.u32 v8, $0x7;
	v10 =	vshll.u32 v10, $0x7  }
0x47: {  	v12 =	vshll.u32 v12, $0x7;
	v63 =	vand.u32 $0x7F, v5;
	v37 =	vand.u32 $0x7F, v15  }
0x48: {  	v38 =	vand.u32 $0x7F, v7;
	v39 =	vand.u32 $0x7F, v9;
	v40 =	vand.u32 $0x7F, v11  }
0x49: {  	v41 =	vand.u32 $0x7F, v16;
	v5 =	vand.u32 $0xFFFFFF80, v5;
	v42 =	vand.u32 $0x7F, v19  }
0x4a: {  	v15 =	vand.u32 $0xFFFFFF80, v15;
	v43 =	vand.u32 $0xFFFFFF80, v7;
	v45 =	vand.u32 $0xFFFFFF80, v9  }
0x4b: {  	v7 =	vshll.u32 v18, $0x7;
	v18 =	vmul.f32 v23, v2;
	v23 =	vand.u32 $0xFFFFFF80, v16  }
0x4c: {  	v35 =	vld [tilespmem:s16+$0xFFFFFF00];
	v13 =	vtrunc.f32 v13;
	v4 =	vadd.s32 v4, v5;
	v5 =	vand.u32 $0xFFFFFF80, v19  }
0x4d: {  	v19 =	vmul.f32 v24, v3;
	v9 =	vadd.s32 v44, v43;
	v24 =	vmul.f32 v28, v3  }
0x4e: {  	v28 =	vmul.f32 v32, v3;
	v36 =	vcvt.f32.s32 v13;
	v5 =	vadd.s32 v7, v5  }
0x4f: {  	v7 =	vadd.s32 v14, v15;
	v14 =	vmul.f32 v20, v3;
	v15 =	vmul.f32 v21, v2  }
0x50: {  	v12 =	vadd.s32 v12, v23;
	v20 =	vmul.f32 v25, v2;
	v21 =	vmul.f32 v26, v3  }
0x51: {  	v13 =	vsub.f32 v35, v0;
	v25 =	vmul.f32 v29, v2;
	v26 =	vmul.f32 v30, v3  }
0x52: {  	v51 =	vld [tilespmem:s31+$0xE0];
	v6 =	vor.u32 v63, v4;
	v29 =	vmul.f32 v33, v2;
	v30 =	vmul.f32 v34, v3  }
0x53: {  	v4 =	vand.u32 $0xFFFFFF80, v11;
	v33 =	vmul.f32 v61, v2;
	v34 =	vmul.f32 v62, v3  }
0x54: {  	v8 =	vor.u32 v42, v5;
	v5 =	vmul.f32 v22, v3;
	v22 =	vmul.f32 v27, v2  }
0x55: {  	v27 =	vmul.f32 v31, v2;
	v4 =	vadd.s32 v10, v4;
	v10 =	vtrunc.f32 v18  }
0x56: {  	v9 =	vor.u32 v38, v9;
	v19 =	vtrunc.f32 v19;
	v23 =	vtrunc.f32 v24  }
0x57: {  	v38 =	vsub.f32 v51, v1;
	v28 =	vtrunc.f32 v28;
	v11 =	vmul.f32 v13, v2  }
0x58: {  	v31 =	vand.u32 $0xFFFFFF80, v17;
	v14 =	vtrunc.f32 v14;
	v15 =	vtrunc.f32 v15  }
0x59: {  	v20 =	vtrunc.f32 v20;
	v16 =	vor.u32 v40, v4;
	v4 =	vtrunc.f32 v21  }
0x5a: {  	v18 =	vor.u32 v41, v12;
	v24 =	vtrunc.f32 v25;
	v25 =	vtrunc.f32 v26  }
0x5b: {  	v12 =	vand.u32 $0x7F, v17;
	v29 =	vtrunc.f32 v29;
	v17 =	vtrunc.f32 v30  }
0x5c: {  	v59 =	vld [tilespmem:s31+$0x40];
	v48 =	vcvt.f32.s32 v10;
	v38 =	vmul.f32 v38, v3  }
0x5d: {  	v33 =	vtrunc.f32 v33;
	v34 =	vtrunc.f32 v34  }
0x5e: {  	v5 =	vtrunc.f32 v5;
	v21 =	vtrunc.f32 v22  }
0x5f: {  	v27 =	vtrunc.f32 v27;
	v26 =	vcvt.f32.s32 v14  }
0x60: {  	v30 =	vcvt.f32.s32 v15;
	v14 =	vcvt.f32.s32 v19  }
0x61: {  	v52 =	vsub.f32 v59, v0;
	v20 =	vcvt.f32.s32 v20;
	v24 =	vcvt.f32.s32 v24  }
0x62: {  	v13 =	vadd.s32 v46, v45;
	v10 =	vcvt.f32.s32 v25;
	v29 =	vcvt.f32.s32 v29  }
0x63: {  	v13 =	vor.u32 v39, v13;
	v39 =	vmul.f32 v52, v2;
	v33 =	vcvt.f32.s32 v33  }
0x64: {  	v7 =	vor.u32 v37, v7;
	v34 =	vcvt.f32.s32 v34;
	v11 =	vtrunc.f32 v11  }
0x65: {  	v63 =	vld [tilespmem:s31+$0xD0];
	v22 =	vshll.u32 v36, $0x7;
	v15 =	vcvt.f32.s32 v5;
	v21 =	vcvt.f32.s32 v21  }
0x66: {  	v51 =	vld [tilespmem:s31+$0xFFFFFFB0];
	v22 =	vadd.s32 v22, v31;
	v27 =	vcvt.f32.s32 v27;
	v5 =	vcvt.f32.s32 v28  }
0x67: {  	v62 =	vld [tilespmem:s31+$0xFFFFFF50];
	v32 =	vshll.u32 v48, $0x7;
	v38 =	vtrunc.f32 v38;
	v11 =	vcvt.f32.s32 v11  }
0x68: {  	v22 =	vor.u32 v12, v22;
	v19 =	vand.u32 $0xFFFFFF80, v26;
	v12 =	vcvt.f32.s32 v4  }
0x69: {  	v25 =	vshll.u32 v30, $0x7;
	v28 =	vand.u32 $0xFFFFFF80, v14;
	v4 =	vcvt.f32.s32 v17  }
0x6a: {  	v20 =	vshll.u32 v20, $0x7;
	v58 =	vand.u32 $0xFFFFFF80, v10;
	v24 =	vshll.u32 v24, $0x7  }
0x6b: {  	v49 =	vld [tilespmem:s31+$0x80];
	v29 =	vshll.u32 v29, $0x7;
	v35 =	vsub.f32 v63, v1;
	v39 =	vtrunc.f32 v39  }
0x6c: {  	v54 =	vld [tilespmem:s31+$0x30];
	v42 =	vsub.f32 v51, v1;
	v33 =	vshll.u32 v33, $0x7;
	v51 =	vsub.f32 v62, v0  }
0x6d: {  	v56 =	vld [tilespmem:s31+$0xB0];
	v38 =	vcvt.f32.s32 v38;
	v26 =	vand.u32 $0x7F, v26;
	v14 =	vand.u32 $0x7F, v14  }
0x6e: {  	v52 =	vld [tilespmem:s31+$0xFFFFFF40];
	v57 =	vshll.u32 v21, $0x7;
	v60 =	vand.u32 $0xFFFFFF80, v5;
	v27 =	vshll.u32 v27, $0x7  }
0x6f: {  	v31 =	vld [tilespmem:s31+$0x0];
	v24 =	vadd.s32 v24, v58;
	v39 =	vcvt.f32.s32 v39;
	v50 =	vshll.u32 v11, $0x7  }
0x70: {  	v48 =	vld [tilespmem:s31+$0x60];
	v11 =	vcvt.f32.s32 v23;
	v23 =	vand.u32 $0xFFFFFF80, v15;
	v55 =	vand.u32 $0xFFFFFF80, v12  }
0x71: {  	v46 =	vand.u32 $0xFFFFFF80, v4;
	v35 =	vmul.f32 v35, v3;
	v12 =	vand.u32 $0x7F, v12  }
0x72: {  	v30 =	vld [tilespmem:s31+$0x20];
	v21 =	vadd.s32 v50, v19;
	v17 =	vadd.s32 v25, v23;
	v25 =	vsub.f32 v49, v1  }
0x73: {  	v53 =	vld [tilespmem:s31+$0xA0];
	v19 =	vadd.s32 v32, v28;
	v20 =	vadd.s32 v20, v55;
	v49 =	vsub.f32 v54, v0  }
0x74: {  	v47 =	vld [tilespmem:s31+$0xC0];
	v50 =	vsub.f32 v56, v1;
	v52 =	vsub.f32 v52, v0;
	v39 =	vshll.u32 v39, $0x7  }
0x75: {  	v40 =	vand.u32 $0xFFFFFF80, v11;
	v23 =	vsub.f32 v31, v0;
	v32 =	vsub.f32 v48, v0  }
0x76: {  	v58 =	vld [tilespmem:s31+$0xFFFFFF20];
	v35 =	vtrunc.f32 v35;
	v21 =	vor.u32 v26, v21;
	v55 =	vmul.f32 v25, v3  }
0x77: {  	v54 =	vld [tilespmem:s31+$0x70];
	v28 =	vsub.f32 v30, v0;
	v36 =	vmul.f32 v49, v2;
	v37 =	vmul.f32 v50, v3  }
0x78: {  	v30 =	vsub.f32 v53, v1;
	v35 =	vcvt.f32.s32 v35;
	v52 =	vmul.f32 v52, v2  }
0x79: {  	v31 =	vld [tilespmem:s31+$0x50];
	v53 =	vsub.f32 v47, v1;
	v23 =	vmul.f32 v23, v2;
	v32 =	vmul.f32 v32, v2  }
0x7a: {  	v48 =	vld [tilespmem:s31+$0xFFFFFF80];
	v12 =	vor.u32 v12, v20;
	v28 =	vmul.f32 v28, v2;
	v30 =	vmul.f32 v30, v3  }
0x7b: {  	v61 =	vld [tilespmem:s31+$0xFFFFFF30];
	v43 =	vsub.f32 v58, v0;
	v41 =	vmul.f32 v53, v3;
	v36 =	vtrunc.f32 v36  }
0x7c: {  	v37 =	vtrunc.f32 v37;
	v44 =	vsub.f32 v54, v0;
	v59 =	vtrunc.f32 v23  }
0x7d: {  	v23 =	vadd.s32 v27, v60;
	v60 =	vtrunc.f32 v55;
	v32 =	vtrunc.f32 v32  }
0x7e: {  	v36 =	vcvt.f32.s32 v36;
	v37 =	vcvt.f32.s32 v37;
	v25 =	vsub.f32 v31, v0  }
0x7f: {  	v56 =	vld [tilespmem:s31+$0xFFFFFF90];
	v47 =	vsub.f32 v48, v1;
	v28 =	vtrunc.f32 v28;
	v30 =	vtrunc.f32 v30  }
0x80: {  	v41 =	vtrunc.f32 v41;
	v48 =	vsub.f32 v61, v0;
	v45 =	vcvt.f32.s32 v60  }
0x81: {  	v53 =	vld [tilespmem:s31+$0xFFFFFFC0];
	v61 =	vand.u32 $0xFFFFFF80, v34;
	v32 =	vcvt.f32.s32 v32;
	v34 =	vand.u32 $0x7F, v34  }
0x82: {  	v27 =	vld [tilespmem:s31+$0xFFFFFFA0];
	v33 =	vadd.s32 v33, v61;
	v28 =	vcvt.f32.s32 v28;
	v30 =	vcvt.f32.s32 v30  }
0x83: {  	v55 =	vld [tilespmem:s31+$0xFFFFFFD0];
	v41 =	vcvt.f32.s32 v41;
	v36 =	vshll.u32 v36, $0x7;
	v49 =	vmul.f32 v25, v2  }
0x84: {  	v62 =	vld [tilespmem:s31+$0xFFFFFF00];
	v25 =	vadd.s32 v57, v40;
	v57 =	vmul.f32 v44, v2;
	v40 =	vsub.f32 v56, v1  }
0x85: {  	v31 =	vld [tilespmem:s31+$0xF0];
	v44 =	vcvt.f32.s32 v59;
	v58 =	vand.u32 $0xFFFFFF80, v45;
	v33 =	vor.u32 v34, v33  }
0x86: {  	v60 =	vld [tilespmem:s31+$0xFFFFFFF0];
	v32 =	vshll.u32 v32, $0x7;
	v53 =	vsub.f32 v53, v1;
	v28 =	vshll.u32 v28, $0x7  }
0x87: {  	v59 =	vld [tilespmem:s31+$0xFFFFFFE0];
	v49 =	vtrunc.f32 v49;
	v54 =	vsub.f32 v27, v1;
	v27 =	vtrunc.f32 v57  }
0x88: {  	v6 =	vld.idx.msk [tilespmem:v6+s10+$0x0], $0xffff;
	v44 =	vshll.u32 v44, $0x7;
	v55 =	vsub.f32 v55, v1;
	v56 =	vcvt.f32.s32 v27  }
0x89: {  	v9 =	vld.idx.msk [tilespmem:v9+s10+$0x0], $0xffff;
	v27 =	vadd.s32 v29, v46;
	v29 =	vand.u32 $0x7F, v45;
	v44 =	vadd.s32 v44, v58  }
0x8a: {  	v57 =	vld [tilespmem:s31+$0xFFFFFF60];
	v31 =	vsub.f32 v31, v1;
	v49 =	vcvt.f32.s32 v49;
	v29 =	vor.u32 v29, v44  }
0x8b: {  	v8 =	vld.idx.msk [tilespmem:v8+s10+$0x0], $0xffff;
	v44 =	vsub.f32 v60, v1;
	v60 =	vand.u32 $0x7F, v35;
	v35 =	vand.u32 $0xFFFFFF80, v35  }
0x8c: {  	v22 =	vld.idx.msk [tilespmem:v22+s10+$0x0], $0xffff;
	v31 =	vmul.f32 v31, v3;
	v56 =	vshll.u32 v56, $0x7;
	v58 =	vsub.f32 v59, v1  }
0x8d: {  	v45 =	vld [tilespmem:s31+$0xFFFFFF70];
	v59 =	vand.u32 $0x7F, v37;
	v37 =	vand.u32 $0xFFFFFF80, v37;
	v61 =	vshll.u32 v49, $0x7  }
0x8e: {  	v18 =	vld.idx.msk [tilespmem:v18+s10+$0x0], $0xffff;
	v49 =	vand.u32 $0x7F, v38;
	v36 =	vadd.s32 v36, v37;
	v35 =	vadd.s32 v61, v35  }
0x8f: {  	v7 =	vld.idx.msk [tilespmem:v7+s10+$0x0], $0xffff;
	v44 =	vmul.f32 v44, v3;
	v31 =	vtrunc.f32 v31;
	v57 =	vsub.f32 v57, v0  }
0x90: {  	s16 =	simm.s32 $0x10880;
	v16 =	vld.idx.msk [tilespmem:v16+s10+$0x0], $0xffff;
	v34 =	vor.u32 v59, v36;
	v36 =	vmul.f32 v43, v2;
	v59 =	vmul.f32 v55, v3  }
0x91: {  	v13 =	vld.idx.msk [tilespmem:v13+s10+$0x0], $0xffff;
	[tilespmem:s16+$0x60] =	vst v22;
	v35 =	vor.u32 v60, v35;
	v31 =	vcvt.f32.s32 v31;
	v22 =	vtrunc.f32 v44  }
0x92: {  	[tilespmem:s16+$0x20] =	vst v9;
	v45 =	vsub.f32 v45, v0;
	v61 =	vmul.f32 v57, v2;
	v9 =	vtrunc.f32 v36  }
0x93: {  	[tilespmem:s16+$0x50] =	vst v18;
	v18 =	vtrunc.f32 v59;
	v63 =	vand.u32 $0xFFFFFF80, v31;
	v31 =	vand.u32 $0x7F, v31  }
0x94: {  	v46 =	vadd.s32 v56, v63;
	v63 =	vand.u32 $0x7F, v30;
	v30 =	vand.u32 $0xFFFFFF80, v30  }
0x95: {  	v50 =	vld [tilespmem:s31+$0xFFFFFF10];
	v45 =	vmul.f32 v45, v2;
	v56 =	vsub.f32 v62, v0;
	v28 =	vadd.s32 v28, v30  }
0x96: {  	[tilespmem:s16+$0x70] =	vst v8;
	v31 =	vor.u32 v31, v46;
	v28 =	vor.u32 v63, v28;
	v63 =	vand.u32 $0xFFFFFF80, v38  }
0x97: {  	[tilespmem:s16+$0x10] =	vst v7;
	v7 =	vld.idx.msk [tilespmem:v33+s10+$0x0], $0xffff;
	v30 =	vand.u32 $0x7F, v41;
	v41 =	vand.u32 $0xFFFFFF80, v41;
	v8 =	vadd.s32 v32, v63  }
0x98: {  	v29 =	vld.idx.msk [tilespmem:v29+s10+$0x0], $0xffff;
	v62 =	vadd.s32 v39, v41;
	v37 =	vmul.f32 v56, v2;
	v8 =	vor.u32 v49, v8  }
0x99: {  	v34 =	vld.idx.msk [tilespmem:v34+s10+$0x0], $0xffff;
	v38 =	vmul.f32 v47, v3;
	v39 =	vmul.f32 v40, v3;
	v30 =	vor.u32 v30, v62  }
0x9a: {  	v50 =	vsub.f32 v50, v0;
	v35 =	vld.idx.msk [tilespmem:v35+s10+$0x0], $0xffff;
	v40 =	vmul.f32 v54, v3;
	v41 =	vmul.f32 v42, v3  }
0x9b: {  	v15 =	vand.u32 $0x7F, v15;
	[tilespmem:s16+$0x0] =	vst v6;
	v54 =	vmul.f32 v53, v3;
	v56 =	vmul.f32 v51, v2;
	v6 =	vld.idx.msk [tilespmem:v31+s10+$0x0], $0xffff  }
0x9c: {  	[tilespmem:s16+$0x40] =	vst v16;
	v32 =	vmul.f32 v50, v2;
	v62 =	vmul.f32 v58, v3;
	v63 =	vand.u32 $0x7F, v10;
	v28 =	vld.idx.msk [tilespmem:v28+s10+$0x0], $0xffff  }
0x9d: {  	s17 =	simm.s32 $0x10980;
	[tilespmem:s16+$0x30] =	vst v13;
	v37 =	vtrunc.f32 v37;
	v38 =	vtrunc.f32 v38;
	v26 =	vld.idx.msk [tilespmem:v8+s10+$0x0], $0xffff;
	v8 =	vor.u32 v15, v17  }
0x9e: {  	v39 =	vtrunc.f32 v39;
	v10 =	vtrunc.f32 v40;
	v30 =	vld.idx.msk [tilespmem:v30+s10+$0x0], $0xffff;
	v15 =	vor.u32 v14, v19;
	[tilespmem:s17+$0x0] =	vst v29  }
0x9f: {  	v60 =	vand.u32 $0x7F, v11;
	v13 =	vtrunc.f32 v41;
	v31 =	vmul.f32 v48, v2;
	[tilespmem:s17+$0x10] =	vst v7  }
0xa0: {  	v16 =	vtrunc.f32 v54;
	v32 =	vtrunc.f32 v32;
	v29 =	vor.u32 v60, v25;
	[tilespmem:s17+$0x30] =	vst v34  }
0xa1: {  	v20 =	vtrunc.f32 v62;
	v11 =	vtrunc.f32 v31;
	v25 =	vand.u32 $0x7F, v5;
	v5 =	vld.idx.msk [tilespmem:v21+s10+$0x0], $0xffff;
	[tilespmem:s17+$0x50] =	vst v35  }
0xa2: {  	v4 =	vand.u32 $0x7F, v4;
	v14 =	vtrunc.f32 v52;
	v17 =	vtrunc.f32 v56;
	[tilespmem:s17+$0x70] =	vst v6;
	v6 =	vld.idx.msk [tilespmem:v8+s10+$0x0], $0xffff  }
0xa3: {  	v24 =	vor.u32 v63, v24;
	v19 =	vtrunc.f32 v61;
	v21 =	vtrunc.f32 v45;
	[tilespmem:s17+$0x20] =	vst v28;
	v7 =	vld.idx.msk [tilespmem:v15+s10+$0x0], $0xffff  }
0xa4: {  	v25 =	vor.u32 v25, v23;
	v23 =	vcvt.f32.s32 v38;
	v28 =	vcvt.f32.s32 v37;
	[tilespmem:s17+$0x40] =	vst v30;
	v8 =	vld.idx.msk [tilespmem:v12+s10+$0x0], $0xffff  }
0xa5: {  	s18 =	simm.s32 $0x2;
	s19 =	simm.s32 $0x500;
	[tilespmem:s17+$0x60] =	vst v26;
	v26 =	vor.u32 v4, v27;
	v27 =	vcvt.f32.s32 v32;
	v4 =	vcvt.f32.s32 v39;
	v15 =	vld.idx.msk [tilespmem:v29+s10+$0x0], $0xffff  }
.LBB2_2:
0xa6: {  	v29 =	vld [tilespmem:s19+$0x0];
	v30 =	vcvt.f32.s32 v9;
	v12 =	vcvt.f32.s32 v10;
	v31 =	vand.u32 $0xFFFFFF80, v23  }
0xa7: {  	v33 =	vcvt.f32.s32 v11;
	v13 =	vcvt.f32.s32 v13;
	v28 =	vshll.u32 v28, $0x7;
	v32 =	vld [tilespmem:s19+$0x80]  }
0xa8: {  	v35 =	vcvt.f32.s32 v14;
	v14 =	vcvt.f32.s32 v16;
	v16 =	vand.u32 $0xFFFFFF80, v4;
	v34 =	vld [tilespmem:s19+$0x10]  }
0xa9: {  	v17 =	vcvt.f32.s32 v17;
	v9 =	vcvt.f32.s32 v18;
	v18 =	vshll.u32 v27, $0x7;
	v36 =	vld [tilespmem:s19+$0x90]  }
0xaa: {  	v19 =	vcvt.f32.s32 v19;
	v10 =	vcvt.f32.s32 v20;
	v20 =	vand.u32 $0xFFFFFF80, v12;
	v27 =	vld [tilespmem:s19+$0x20]  }
0xab: {  	v21 =	vcvt.f32.s32 v21;
	v11 =	vcvt.f32.s32 v22;
	v38 =	vshll.u32 v30, $0x7;
	v37 =	vld [tilespmem:s19+$0xA0]  }
0xac: {  	v40 =	vand.u32 $0xFFFFFF80, v13;
	v41 =	vshll.u32 v33, $0x7;
	v42 =	vand.u32 $0xFFFFFF80, v14;
	v39 =	vld [tilespmem:s19+$0x30]  }
0xad: {  	v35 =	vshll.u32 v35, $0x7;
	v44 =	vand.u32 $0xFFFFFF80, v9;
	v45 =	vshll.u32 v17, $0x7;
	v43 =	vld [tilespmem:s19+$0xB0]  }
0xae: {  	v47 =	vand.u32 $0xFFFFFF80, v10;
	v48 =	vshll.u32 v19, $0x7;
	v30 =	vand.u32 $0xFFFFFF80, v11;
	v46 =	vld [tilespmem:s19+$0x40]  }
0xaf: {  	v22 =	vadd.s32 v28, v31;
	v16 =	vadd.s32 v18, v16;
	v33 =	vshll.u32 v21, $0x7;
	v49 =	vld [tilespmem:s19+$0xC0]  }
0xb0: {  	v17 =	vadd.s32 v38, v20;
	v28 =	vsub.f32 v29, v0;
	v29 =	vsub.f32 v32, v1;
	v31 =	vld [tilespmem:s19+$0x50]  }
0xb1: {  	v18 =	vadd.s32 v41, v40;
	v32 =	vsub.f32 v34, v0;
	v34 =	vsub.f32 v36, v1;
	v36 =	vld [tilespmem:s19+$0xD0]  }
0xb2: {  	v19 =	vadd.s32 v35, v42;
	v27 =	vsub.f32 v27, v0;
	v37 =	vsub.f32 v37, v1;
	v38 =	vld [tilespmem:s19+$0x60]  }
0xb3: {  	v20 =	vadd.s32 v45, v44;
	v35 =	vsub.f32 v39, v0;
	v39 =	vsub.f32 v43, v1;
	v40 =	vld [tilespmem:s19+$0xE0]  }
0xb4: {  	v21 =	vadd.s32 v48, v47;
	v41 =	vsub.f32 v46, v0;
	v42 =	vsub.f32 v49, v1;
	v43 =	vld [tilespmem:s19+$0x70]  }
0xb5: {  	v44 =	vmul.f32 v28, v2;
	v45 =	vmul.f32 v29, v3;
	v28 =	vsub.f32 v31, v0;
	v29 =	vld [tilespmem:s19+$0xF0]  }
0xb6: {  	v32 =	vmul.f32 v32, v2;
	v34 =	vmul.f32 v34, v3;
	v31 =	vld [tilespmem:s19+$0xFFFFFF80];
	v36 =	vsub.f32 v36, v1  }
0xb7: {  	v47 =	vmul.f32 v27, v2;
	v37 =	vmul.f32 v37, v3;
	v46 =	vld [tilespmem:s19+$0xFFFFFF10];
	v38 =	vsub.f32 v38, v0  }
0xb8: {  	v35 =	vmul.f32 v35, v2;
	v39 =	vmul.f32 v39, v3;
	v48 =	vld [tilespmem:s19+$0xFFFFFF90];
	v40 =	vsub.f32 v40, v1  }
0xb9: {  	v41 =	vmul.f32 v41, v2;
	v42 =	vmul.f32 v42, v3;
	v49 =	vld [tilespmem:s19+$0xFFFFFF20];
	v43 =	vsub.f32 v43, v0  }
0xba: {  	v51 =	vmul.f32 v28, v2;
	v52 =	vmul.f32 v36, v3;
	v50 =	vld [tilespmem:s19+$0xFFFFFFA0];
	v29 =	vsub.f32 v29, v1  }
0xbb: {  	v38 =	vmul.f32 v38, v2;
	v40 =	vmul.f32 v40, v3;
	v27 =	vsub.f32 v31, v1;
	v36 =	vld [tilespmem:s19+$0xFFFFFF30]  }
0xbc: {  	v43 =	vmul.f32 v43, v2;
	v28 =	vsub.f32 v46, v0;
	v46 =	vld [tilespmem:s19+$0xFFFFFFB0];
	v53 =	vmul.f32 v29, v3  }
0xbd: {  	v44 =	vtrunc.f32 v44;
	v45 =	vtrunc.f32 v45;
	v29 =	vsub.f32 v48, v1;
	v48 =	vld [tilespmem:s19+$0xFFFFFF40]  }
0xbe: {  	v54 =	vtrunc.f32 v32;
	v55 =	vtrunc.f32 v34;
	v31 =	vsub.f32 v49, v0;
	v49 =	vld [tilespmem:s19+$0xFFFFFFC0]  }
0xbf: {  	v47 =	vtrunc.f32 v47;
	v56 =	vtrunc.f32 v37;
	v32 =	vsub.f32 v50, v1;
	v50 =	vld [tilespmem:s19+$0xFFFFFF50]  }
0xc0: {  	v58 =	vtrunc.f32 v35;
	v39 =	vtrunc.f32 v39;
	v34 =	vsub.f32 v36, v0;
	v57 =	vld [tilespmem:s19+$0xFFFFFFD0]  }
0xc1: {  	v41 =	vtrunc.f32 v41;
	v42 =	vtrunc.f32 v42;
	v35 =	vsub.f32 v46, v1;
	v46 =	vld [tilespmem:s19+$0xFFFFFF60]  }
0xc2: {  	v51 =	vtrunc.f32 v51;
	v52 =	vtrunc.f32 v52;
	v36 =	vsub.f32 v48, v0;
	v48 =	vld [tilespmem:s19+$0xFFFFFFE0]  }
0xc3: {  	v59 =	vtrunc.f32 v38;
	v40 =	vtrunc.f32 v40;
	v37 =	vsub.f32 v49, v1;
	v49 =	vld [tilespmem:s19+$0xFFFFFF70]  }
0xc4: {  	v43 =	vtrunc.f32 v43;
	v53 =	vtrunc.f32 v53;
	v38 =	vsub.f32 v50, v0;
	v50 =	vld [tilespmem:s19+$0xFFFFFFF0]  }
0xc5: {  	v44 =	vcvt.f32.s32 v44;
	v45 =	vcvt.f32.s32 v45;
	v60 =	vld [tilespmem:s19+$0xFFFFFF00];
	v57 =	vsub.f32 v57, v1  }
0xc6: {  	s18 =	sadd.s32 $0x2, s18;
	v54 =	vcvt.f32.s32 v54;
	v55 =	vcvt.f32.s32 v55;
	v46 =	vsub.f32 v46, v0;
	v24 =	vld.idx.msk [tilespmem:v24+s10+$0x0], $0xffff  }
0xc7: {  	p0 =	slt.u32 s18, $0xC6;
	v47 =	vcvt.f32.s32 v47;
	v56 =	vcvt.f32.s32 v56;
	v48 =	vsub.f32 v48, v1;
	v25 =	vld.idx.msk [tilespmem:v25+s10+$0x0], $0xffff  }
0xc8: {  	v58 =	vcvt.f32.s32 v58;
	v39 =	vcvt.f32.s32 v39;
	v49 =	vsub.f32 v49, v0;
	v61 =	vld.idx.msk [tilespmem:v26+s10+$0x0], $0xffff;
	[tilespmem:s16+$0xFFFFFF80] =	vst v5  }
0xc9: {  	v41 =	vcvt.f32.s32 v41;
	v42 =	vcvt.f32.s32 v42;
	v5 =	vsub.f32 v50, v1;
	[tilespmem:s16+$0xFFFFFF90] =	vst v6  }
0xca: {  	v50 =	vcvt.f32.s32 v51;
	v51 =	vcvt.f32.s32 v52;
	v6 =	vsub.f32 v60, v0;
	[tilespmem:s16+$0xFFFFFFA0] =	vst v7  }
0xcb: {  	v40 =	vcvt.f32.s32 v40;
	v26 =	vadd.s32 v33, v30;
	v7 =	vcvt.f32.s32 v59;
	[tilespmem:s16+$0xFFFFFFB0] =	vst v8  }
0xcc: {  	v23 =	vand.u32 $0x7F, v23;
	v30 =	vcvt.f32.s32 v53;
	v8 =	vcvt.f32.s32 v43;
	[tilespmem:s16+$0xFFFFFFC0] =	vst v15  }
0xcd: {  	v33 =	vand.u32 $0x7F, v55;
	v43 =	vand.u32 $0x7F, v56;
	v15 =	vand.u32 $0x7F, v45;
	[tilespmem:s16+$0xFFFFFFD0] =	vst v24  }
0xce: {  	v52 =	vand.u32 $0x7F, v42;
	v53 =	vand.u32 $0x7F, v51;
	v24 =	vand.u32 $0x7F, v39;
	[tilespmem:s16+$0xFFFFFFE0] =	vst v25  }
0xcf: {  	v44 =	vshll.u32 v44, $0x7;
	v25 =	vand.u32 $0xFFFFFF80, v45;
	v45 =	vand.u32 $0x7F, v30;
	[tilespmem:s16+$0xFFFFFFF0] =	vst v61;
	s16 =	smov.u32 s17  }
0xd0: {  	v54 =	vshll.u32 v54, $0x7;
	v55 =	vand.u32 $0xFFFFFF80, v55;
	v56 =	vand.u32 $0xFFFFFF80, v56  }
0xd1: {  	v47 =	vshll.u32 v47, $0x7;
	v58 =	vshll.u32 v58, $0x7;
	v39 =	vand.u32 $0xFFFFFF80, v39  }
0xd2: {  	v8 =	vshll.u32 v8, $0x7;
	v30 =	vand.u32 $0xFFFFFF80, v30;
	v25 =	vadd.s32 v44, v25  }
0xd3: {  	v8 =	vadd.s32 v8, v30;
	v15 =	vor.u32 v15, v25;
	v25 =	vand.u32 $0xFFFFFF80, v42  }
0xd4: {  	v41 =	vshll.u32 v41, $0x7;
	v30 =	vadd.s32 v54, v55;
	v8 =	vor.u32 v45, v8  }
0xd5: {  	v30 =	vor.u32 v33, v30;
	v33 =	vadd.s32 v47, v56;
	v42 =	vand.u32 $0xFFFFFF80, v51  }
0xd6: {  	v39 =	vadd.s32 v58, v39;
	v33 =	vor.u32 v43, v33;
	v43 =	vshll.u32 v50, $0x7  }
0xd7: {  	v24 =	vor.u32 v24, v39;
	v39 =	vand.u32 $0xFFFFFF80, v40;
	v25 =	vadd.s32 v41, v25  }
0xd8: {  	v7 =	vshll.u32 v7, $0x7;
	v25 =	vor.u32 v52, v25;
	v41 =	vadd.s32 v43, v42;
	v15 =	vld.idx.msk [tilespmem:v15+s10+$0x0], $0xffff  }
0xd9: {  	v40 =	vand.u32 $0x7F, v40;
	v7 =	vadd.s32 v7, v39;
	v41 =	vor.u32 v53, v41;
	v8 =	vld.idx.msk [tilespmem:v8+s10+$0x0], $0xffff  }
0xda: {  	v27 =	vmul.f32 v27, v3;
	v6 =	vmul.f32 v6, v2;
	v7 =	vor.u32 v40, v7;
	v30 =	vld.idx.msk [tilespmem:v30+s10+$0x0], $0xffff  }
0xdb: {  	v4 =	vand.u32 $0x7F, v4;
	v28 =	vmul.f32 v28, v2;
	v29 =	vmul.f32 v29, v3;
	v33 =	vld.idx.msk [tilespmem:v33+s10+$0x0], $0xffff  }
0xdc: {  	v12 =	vand.u32 $0x7F, v12;
	v31 =	vmul.f32 v31, v2;
	v32 =	vmul.f32 v32, v3;
	v24 =	vld.idx.msk [tilespmem:v24+s10+$0x0], $0xffff  }
0xdd: {  	v34 =	vmul.f32 v34, v2;
	v35 =	vmul.f32 v35, v3;
	v39 =	vand.u32 $0x7F, v13;
	v25 =	vld.idx.msk [tilespmem:v25+s10+$0x0], $0xffff  }
0xde: {  	v36 =	vmul.f32 v36, v2;
	v37 =	vmul.f32 v37, v3;
	s17 =	sadd.s32 $0x100, s17;
	v40 =	vld.idx.msk [tilespmem:v41+s10+$0x0], $0xffff;
	v41 =	vand.u32 $0x7F, v14  }
0xdf: {  	v38 =	vmul.f32 v38, v2;
	v42 =	vmul.f32 v57, v3;
	v7 =	vld.idx.msk [tilespmem:v7+s10+$0x0], $0xffff;
	[tilespmem:s17+$0x70] =	vst v8;
	v8 =	vand.u32 $0x7F, v9  }
0xe0: {  	v44 =	vmul.f32 v48, v3;
	v43 =	vmul.f32 v46, v2;
	[tilespmem:s17+$0x0] =	vst v15;
	v15 =	vand.u32 $0x7F, v10  }
0xe1: {  	v45 =	vmul.f32 v49, v2;
	v46 =	vmul.f32 v5, v3;
	[tilespmem:s17+$0x10] =	vst v30;
	v30 =	vand.u32 $0x7F, v11  }
0xe2: {  	v27 =	vtrunc.f32 v27;
	v47 =	vtrunc.f32 v6;
	v5 =	vor.u32 v23, v22;
	[tilespmem:s17+$0x20] =	vst v33  }
0xe3: {  	v4 =	vor.u32 v4, v16;
	v29 =	vtrunc.f32 v29;
	v33 =	vtrunc.f32 v28;
	[tilespmem:s17+$0x30] =	vst v24  }
0xe4: {  	v12 =	vor.u32 v12, v17;
	v9 =	vtrunc.f32 v31;
	v10 =	vtrunc.f32 v32;
	[tilespmem:s17+$0x40] =	vst v25  }
0xe5: {  	v13 =	vtrunc.f32 v35;
	v31 =	vor.u32 v39, v18;
	v11 =	vtrunc.f32 v34;
	[tilespmem:s17+$0x50] =	vst v40  }
0xe6: {  	v16 =	vtrunc.f32 v37;
	v14 =	vtrunc.f32 v36;
	v32 =	vor.u32 v41, v19;
	[tilespmem:s17+$0x60] =	vst v7  }
.Ltmp0:
0xe7: {  	v17 =	vtrunc.f32 v38;
	v18 =	vtrunc.f32 v42;
	v24 =	vor.u32 v8, v20;
	v5 =	vld.idx.msk [tilespmem:v5+s10+$0x0], $0xffff;
	(pc) =	sbr.rel @p0 .LBB2_2-.Ltmp0, $4  }
0xe8: {  	v19 =	vtrunc.f32 v43;
	v20 =	vtrunc.f32 v44;
	v25 =	vor.u32 v15, v21;
	v6 =	vld.idx.msk [tilespmem:v4+s10+$0x0], $0xffff  }
0xe9: {  	v22 =	vtrunc.f32 v46;
	v26 =	vor.u32 v30, v26;
	v21 =	vtrunc.f32 v45;
	v7 =	vld.idx.msk [tilespmem:v12+s10+$0x0], $0xffff  }
0xea: {  	v23 =	vcvt.f32.s32 v27;
	v28 =	vcvt.f32.s32 v47;
	v8 =	vld.idx.msk [tilespmem:v31+s10+$0x0], $0xffff  }
0xeb: {  	s19 =	sadd.s32 $0x200, s19;
	v27 =	vcvt.f32.s32 v33;
	v4 =	vcvt.f32.s32 v29;
	v15 =	vld.idx.msk [tilespmem:v32+s10+$0x0], $0xffff  }
0xec: {  	v0 =	vcvt.f32.s32 v9;
	v1 =	vcvt.f32.s32 v10  }
0xed: {  	v3 =	vcvt.f32.s32 v11;
	v37 =	vcvt.f32.s32 v13  }
0xee: {  	v39 =	vcvt.f32.s32 v14;
	v12 =	vcvt.f32.s32 v16  }
0xef: {  	v2 =	vand.u32 $0xFFFFFF80, v23;
	v41 =	vcvt.f32.s32 v17;
	v42 =	vcvt.f32.s32 v18  }
0xf0: {  	v38 =	vshll.u32 v28, $0x7;
	v44 =	vcvt.f32.s32 v19;
	v45 =	vcvt.f32.s32 v20  }
0xf1: {  	v21 =	vcvt.f32.s32 v21;
	v22 =	vcvt.f32.s32 v22;
	v50 =	vand.u32 $0x7F, v23  }
0xf2: {  	v40 =	vand.u32 $0xFFFFFF80, v4;
	v43 =	vshll.u32 v27, $0x7;
	v2 =	vadd.s32 v38, v2  }
0xf3: {  	v52 =	vand.u32 $0x7F, v4;
	v46 =	vand.u32 $0xFFFFFF80, v1;
	v0 =	vshll.u32 v0, $0x7  }
0xf4: {  	v47 =	vand.u32 $0xFFFFFF80, v37;
	v3 =	vshll.u32 v3, $0x7;
	v48 =	vand.u32 $0xFFFFFF80, v12  }
0xf5: {  	v11 =	vshll.u32 v39, $0x7;
	v29 =	vand.u32 $0xFFFFFF80, v42;
	v14 =	vshll.u32 v41, $0x7  }
0xf6: {  	v30 =	vand.u32 $0xFFFFFF80, v45;
	v18 =	vshll.u32 v44, $0x7;
	v31 =	vand.u32 $0xFFFFFF80, v22  }
0xf7: {  	v49 =	vadd.s32 v43, v40;
	v51 =	vshll.u32 v21, $0x7;
	v2 =	vor.u32 v50, v2  }
0xf8: {  	v1 =	vand.u32 $0x7F, v1;
	v0 =	vadd.s32 v0, v46;
	v4 =	vor.u32 v52, v49  }
0xf9: {  	v53 =	vld.idx.msk [tilespmem:v24+s10+$0x0], $0xffff;
	v9 =	vand.u32 $0x7F, v37;
	v3 =	vadd.s32 v3, v47;
	v0 =	vor.u32 v1, v0  }
0xfa: {  	v55 =	vld.idx.msk [tilespmem:v25+s10+$0x0], $0xffff;
	v12 =	vand.u32 $0x7F, v12;
	v54 =	vadd.s32 v11, v48;
	v3 =	vor.u32 v9, v3  }
0xfb: {  	v57 =	vld.idx.msk [tilespmem:v26+s10+$0x0], $0xffff;
	[tilespmem:s16+$0xFFFFFF80] =	vst v5;
	v58 =	vand.u32 $0x7F, v42;
	v56 =	vadd.s32 v14, v29;
	v1 =	vor.u32 v12, v54  }
0xfc: {  	[tilespmem:s16+$0xFFFFFF90] =	vst v6;
	v60 =	vand.u32 $0x7F, v45;
	v59 =	vadd.s32 v18, v30;
	v9 =	vor.u32 v58, v56;
	v2 =	vld.idx.msk [tilespmem:v2+s10+$0x0], $0xffff  }
0xfd: {  	v62 =	vand.u32 $0x7F, v22;
	[tilespmem:s16+$0xFFFFFFA0] =	vst v7;
	v61 =	vadd.s32 v51, v31;
	v5 =	vor.u32 v60, v59;
	v4 =	vld.idx.msk [tilespmem:v4+s10+$0x0], $0xffff  }
0xfe: {  	[tilespmem:s16+$0xFFFFFFB0] =	vst v8;
	v6 =	vor.u32 v62, v61;
	v0 =	vld.idx.msk [tilespmem:v0+s10+$0x0], $0xffff  }
0xff: {  	[tilespmem:s16+$0xFFFFFFC0] =	vst v15;
	v3 =	vld.idx.msk [tilespmem:v3+s10+$0x0], $0xffff  }
0x100: {  	[tilespmem:s16+$0xFFFFFFD0] =	vst v53;
	v1 =	vld.idx.msk [tilespmem:v1+s10+$0x0], $0xffff  }
0x101: {  	[tilespmem:s16+$0xFFFFFFE0] =	vst v55;
	v63 =	vld.idx.msk [tilespmem:v9+s10+$0x0], $0xffff  }
0x102: {  	[tilespmem:s16+$0xFFFFFFF0] =	vst v57;
	v5 =	vld.idx.msk [tilespmem:v5+s10+$0x0], $0xffff  }
0x103: {  	v6 =	vld.idx.msk [tilespmem:v6+s10+$0x0], $0xffff;
	[tilespmem:s17+$0xFFFFFF80] =	vst v2  }
0x104: {  	[tilespmem:s17+$0xFFFFFF90] =	vst v4  }
0x105: {  	[tilespmem:s17+$0xFFFFFFA0] =	vst v0  }
0x106: {  	[tilespmem:s17+$0xFFFFFFB0] =	vst v3  }
0x107: {  	[tilespmem:s17+$0xFFFFFFC0] =	vst v1  }
0x108: {  	s15 =	sadd.s32 $0x1, s15;
	[tilespmem:s17+$0xFFFFFFD0] =	vst v63  }
0x109: {  	p0 =	sne.s32 s15, s7;
	[tilespmem:s17+$0xFFFFFFE0] =	vst v5  }
.Ltmp1:
0x10a: {  	[tilespmem:s17+$0xFFFFFFF0] =	vst v6;
	(pc) =	sbr.rel @p0 .LBB2_1-.Ltmp1, $4  }
0x10b: {  	[hbm4b:s6+s12] =	stream.strided.scatter [tilespmem:s14], [sflag:$0x1], $0x6400, s13, s12, $0x38;
	[tilespmem:$0x16C80] =	vst v63  }
0x10c: {  	_ =	swait.ge [sflag:s9], $0x6400  }
0x10d: {  	[sflag:s9] =	ssyncset.done $0x0  }
0x10e: {  	[sflag:s9] =	ssyncadd.s32 $0xFFFF9C00  }
0x10f: {  	_ =	sfence.sel $0x180000  }
0x110: {  	[bflag:$0x0] =	sbarrier.arrive $0xFFFF  }
0x111: {  	p0 =	sne.s32 s2, $0x0;
	_ =	strace $0x90000047  }
0x112: {  	s0 =	sadd.s32 @!p0 $0x100000, s0;
	[bflag:$0x2] =	sbarrier.arrive $0xFFFF  }
0x113: {  	[sflag:s0] =	ssyncadd.tile.s32 @!p0 $0x1;
	_ =	shalt  }
.Lfunc_end2:
_tile_overlayer_lowered:
.L_overlay_start_2:
0x114: {  	(tag) =	ssettag $0x2  }
0x115: {  	s0 =	rddreg [dreg:$0x0];
	s2 =	stileid.u32  }
0x116: {  	s1 =	rddreg [dreg:$0x1];
	p0 =	sne.s32 s2, $0x0  }
0x117: {  	s3 =	rddreg [dreg:$0x2];
	[bflag:$0x3] =	sbarrier.arrive $0xFFFF;
	s2 =	simm.s32 @!p0 $0x1C01  }
0x118: {  	[timem:s3], [sflag:s2] =	dma.local @!p0 [hbm:s0], s1  }
0x119: {  	s0 =	simm.s32 @!p0 $0x1  }
0x11a: {  	_ =	swait.ge @!p0 [sflag:s0], s1  }
0x11b: {  	s1 =	ssub.s32 @!p0 $0x0, s1;
	[sflag:s0] =	ssyncset.done @!p0 $0x0  }
0x11c: {  	[sflag:s0] =	ssyncadd.s32 @!p0 s1  }
0x11d: {  	[bflag:$0x3] =	sbarrier.arrive $0xFFFF  }
0x11e: {  	_ =	shalt  }

</sc_bundles>
